<compile_context>
chip_gen: v7x
topology: tpu7x:2x2x1
jax: 0.10.2.dev20260603
libtpu: 0.0.44.dev20260713+nightly
codegen_flags: <defaults>
</compile_context>

<pallas_src>
import functools

import jax
import jax.numpy as jnp
from jax import lax
from jax.experimental import pallas as pl
from jax.experimental.pallas import tpu as pltpu
from jax.experimental.pallas import tpu_sc as plsc

_BATCH = 16384
_EMB = 32
_NTAB = 4
_ROWW = _NTAB * _EMB
_NC = 2
_NS = 16
_NW = _NC * _NS
_BPW = _BATCH // _NW
_CHUNK = 128
_NCHUNK = _BPW // _CHUNK

_mesh = plsc.VectorSubcoreMesh(core_axis_name="c", subcore_axis_name="s")


def _make_gather_kernel():
  @functools.partial(
      pl.kernel,
      mesh=_mesh,
      out_type=jax.ShapeDtypeStruct((_BATCH, _ROWW), jnp.float32),
      scratch_types=[
          pltpu.VMEM((_NTAB, _CHUNK), jnp.int32),
          pltpu.VMEM((_NTAB, _CHUNK, _ROWW), jnp.float32),
          pltpu.VMEM((_CHUNK, _ROWW), jnp.float32),
          pltpu.SemaphoreType.DMA,
      ],
  )
  def body(xT, wall, out_hbm, idx_v, rows_v, out_v, gsem):
    wid = lax.axis_index("s") * _NC + lax.axis_index("c")
    base = wid * _BPW
    for j in range(_NCHUNK):
      b0 = base + j * _CHUNK
      pltpu.sync_copy(xT.at[:, pl.ds(b0, _CHUNK)], idx_v)
      copies = [
          pltpu.async_copy(wall.at[idx_v.at[t]], rows_v.at[t], gsem)
          for t in range(_NTAB)
      ]
      for cp in copies:
        cp.wait()

      def select(b, _):
        for t in range(_NTAB):
          for k in range(_EMB // 16):
            c = t * _EMB + k * 16
            out_v[b, pl.ds(c, 16)] = rows_v[t, b, pl.ds(c, 16)]
        return ()

      lax.fori_loop(0, _CHUNK, select, ())
      pltpu.sync_copy(out_v, out_hbm.at[pl.ds(b0, _CHUNK)])

  return body


_gather = _make_gather_kernel()

_VOCAB = 100000
_TCB = 8192


def _tc_pack_body(wt_ref, out_ref):
  out_ref[...] = jnp.transpose(wt_ref[...])


_tc_pack = pl.pallas_call(
    _tc_pack_body,
    grid=(pl.cdiv(_VOCAB, _TCB),),
    in_specs=[pl.BlockSpec((_ROWW, _TCB), lambda i: (0, i))],
    out_specs=pl.BlockSpec((_TCB, _ROWW), lambda i: (i, 0)),
    out_shape=jax.ShapeDtypeStruct((_VOCAB, _ROWW), jnp.float32),
)


def kernel(x, W_gender, W_age, W_occupation, W_zip):
  wt_all = jnp.concatenate(
      (W_gender.T, W_age.T, W_occupation.T, W_zip.T), axis=0)
  w_all = _tc_pack(wt_all)
  return _gather(x.T, w_all)

# --- scband reference (transcript-rebuilt; emitter-appended) ---
"""Pipeline reference for scband-user-ml-16071767622201 (READ-ONLY COPY).

The authoritative reference and input builder live on the scoring server;
editing this copy changes nothing except your own understanding.
"""

import jax, jax.numpy as jnp
import numpy as np

BATCH = 16384
VOCAB = 100000
EMB = 32

def setup_inputs(seed: int = 0) -> dict:
    key = jax.random.key(seed)
    k_idx, k_g, k_a, k_o, k_z = jax.random.split(key, 5)
    x = jax.random.randint(k_idx, (BATCH, 4), 0, VOCAB, dtype=jnp.int32)
    W_gender = jax.random.normal(k_g, (VOCAB, EMB), dtype=jnp.float32)
    W_age = jax.random.normal(k_a, (VOCAB, EMB), dtype=jnp.float32)
    W_occupation = jax.random.normal(k_o, (VOCAB, EMB), dtype=jnp.float32)
    W_zip = jax.random.normal(k_z, (VOCAB, EMB), dtype=jnp.float32)
    return {"x": x, "W_gender": W_gender, "W_age": W_age, "W_occupation": W_occupation, "W_zip": W_zip}

def reference(x, W_gender, W_age, W_occupation, W_zip):
    gender_idx = x[:, 0]
    age_idx = x[:, 1]
    occupation_idx = x[:, 2]
    zip_idx = x[:, 3]
    gender_emb = jnp.take(W_gender, gender_idx, axis=0)
    age_emb = jnp.take(W_age, age_idx, axis=0)
    occupation_emb = jnp.take(W_occupation, occupation_idx, axis=0)
    zip_emb = jnp.take(W_zip, zip_idx, axis=0)
    temp_user_emb = jnp.concatenate((gender_emb, age_emb, occupation_emb, zip_emb), axis=1)
    return temp_user_emb

if __name__ == "__main__":
    import jax
    _d = setup_inputs()
    print(jax.jit(kernel)(*tuple(_d.values())))

</pallas_src>

<mosaic_0001>
#map = affine_map<(d0, d1) -> (0, 0)>
module attributes {stable_mosaic.version = 14 : i64} {
  func.func @body(%arg0: i32, %arg1: i32, %arg2: memref<4x16384xi32, #tpu.memory_space<hbm>>, %arg3: memref<100000x128xf32, #tpu.memory_space<hbm>>, %arg4: memref<16384x128xf32, #tpu.memory_space<hbm>>, %arg5: memref<4x128xi32, #tpu.memory_space<vmem>>, %arg6: memref<4x128x128xf32, #tpu.memory_space<vmem>>, %arg7: memref<128x128xf32, #tpu.memory_space<vmem>>, %arg8: memref<!tpu.dma_semaphore, #tpu.memory_space<semaphore_mem>>) attributes {dimension_semantics = [#tpu.dimension_semantics<core_parallel>, #tpu.dimension_semantics<subcore_parallel>], iteration_bounds = array<i64: 2, 16>, scalar_prefetch = 0 : i64, scratch_operands = 4 : i64, tpu.core_type = #tpu.core_type<sc_vector_subcore>, window_params = [{transform_indices = #map}, {transform_indices = #map}, {transform_indices = #map}]} {
    %mul3A = arith.constant 2 : i32
    %mul3A_0 = arith.muli %arg1, %mul3A : i32
    %add3A = arith.addi %mul3A_0, %arg0 : i32
    %mul3A_1 = arith.constant 512 : i32
    %mul3A_2 = arith.muli %add3A, %mul3A_1 : i32
    %add3A_3 = arith.constant 0 : i32
    %add3A_4 = arith.addi %mul3A_2, %add3A_3 : i32
    "tpu.region"() ({
      %run_scoped3A = tpu.sem_alloc : memref<!tpu.dma_semaphore, #tpu.memory_space<semaphore_mem>>
      %dma_start3A_412 = arith.constant 0 : i32
      %dma_start3A_413 = tpu.memref_slice %arg2[%dma_start3A_412, %add3A_4] : memref<4x16384xi32, #tpu.memory_space<hbm>> -> memref<4x128xi32, #tpu.memory_space<hbm>>
      %dma_start3A_414 = arith.constant 0 : i32
      %dma_start3A_415 = tpu.memref_slice %arg2[%dma_start3A_414, %add3A_4] : memref<4x16384xi32, #tpu.memory_space<hbm>> -> memref<4x128xi32, #tpu.memory_space<hbm>>
      tpu.enqueue_dma source(%dma_start3A_415 : memref<4x128xi32, #tpu.memory_space<hbm>>) target(%arg5 : memref<4x128xi32, #tpu.memory_space<vmem>>) target_semaphore(%run_scoped3A : memref<!tpu.dma_semaphore, #tpu.memory_space<semaphore_mem>>)
      %dma_wait3A_416 = arith.constant 0 : i32
      %dma_wait3A_417 = tpu.memref_slice %arg2[%dma_wait3A_416, %add3A_4] : memref<4x16384xi32, #tpu.memory_space<hbm>> -> memref<4x128xi32, #tpu.memory_space<hbm>>
      %dma_wait3A_418 = arith.constant 0 : i32
      %dma_wait3A_419 = tpu.memref_slice %arg2[%dma_wait3A_418, %add3A_4] : memref<4x16384xi32, #tpu.memory_space<hbm>> -> memref<4x128xi32, #tpu.memory_space<hbm>>
      tpu.wait_dma2 semaphore(%run_scoped3A : memref<!tpu.dma_semaphore, #tpu.memory_space<semaphore_mem>>) src(%dma_wait3A_419 : memref<4x128xi32, #tpu.memory_space<hbm>>) dst(%arg5 : memref<4x128xi32, #tpu.memory_space<vmem>>)
      tpu.yield
    }) : () -> ()
    %dma_start3A = arith.constant 0 : i32
    %dma_start3A_5 = arith.constant 0 : i32
    %dma_start3A_6 = arith.constant 0 : i32
    %dma_start3A_7 = arith.constant 0 : i32
    %dma_start3A_8 = tpu.memref_slice %arg6[%dma_start3A_5, %dma_start3A_6, %dma_start3A_7] : memref<4x128x128xf32, #tpu.memory_space<vmem>> -> memref<1x128x128xf32, #tpu.memory_space<vmem>>
    %dma_start3A_9 = tpu.memref_squeeze %dma_start3A_8 : memref<1x128x128xf32, #tpu.memory_space<vmem>> -> memref<128x128xf32, #tpu.memory_space<vmem>>
    %dma_start3A_10 = arith.constant 0 : i32
    %dma_start3A_11 = tpu.memref_slice %arg5[%dma_start3A, %dma_start3A_10] : memref<4x128xi32, #tpu.memory_space<vmem>> -> memref<1x128xi32, #tpu.memory_space<vmem>>
    %dma_start3A_12 = tpu.memref_squeeze %dma_start3A_11 : memref<1x128xi32, #tpu.memory_space<vmem>> -> memref<128xi32, #tpu.memory_space<vmem>>
    %dma_start3A_13 = arith.constant 0 : i32
    %dma_start3A_14 = arith.constant 0 : i32
    %dma_start3A_15 = tpu.memref_slice %arg3[%dma_start3A_13, %dma_start3A_14] : memref<100000x128xf32, #tpu.memory_space<hbm>> -> memref<100000x128xf32, #tpu.memory_space<hbm>>
    tpu.enqueue_indirect_dma source(%dma_start3A_15 : memref<100000x128xf32, #tpu.memory_space<hbm>>) target(%dma_start3A_9 : memref<128x128xf32, #tpu.memory_space<vmem>>) offsets(%dma_start3A_12 : memref<128xi32, #tpu.memory_space<vmem>>) semaphore(%arg8 : memref<!tpu.dma_semaphore, #tpu.memory_space<semaphore_mem>>)
    %dma_start3A_16 = arith.constant 1 : i32
    %dma_start3A_17 = arith.constant 1 : i32
    %dma_start3A_18 = arith.constant 0 : i32
    %dma_start3A_19 = arith.constant 0 : i32
    %dma_start3A_20 = tpu.memref_slice %arg6[%dma_start3A_17, %dma_start3A_18, %dma_start3A_19] : memref<4x128x128xf32, #tpu.memory_space<vmem>> -> memref<1x128x128xf32, #tpu.memory_space<vmem>>
    %dma_start3A_21 = tpu.memref_squeeze %dma_start3A_20 : memref<1x128x128xf32, #tpu.memory_space<vmem>> -> memref<128x128xf32, #tpu.memory_space<vmem>>
    %dma_start3A_22 = arith.constant 0 : i32
    %dma_start3A_23 = tpu.memref_slice %arg5[%dma_start3A_16, %dma_start3A_22] : memref<4x128xi32, #tpu.memory_space<vmem>> -> memref<1x128xi32, #tpu.memory_space<vmem>>
    %dma_start3A_24 = tpu.memref_squeeze %dma_start3A_23 : memref<1x128xi32, #tpu.memory_space<vmem>> -> memref<128xi32, #tpu.memory_space<vmem>>
    %dma_start3A_25 = arith.constant 0 : i32
    %dma_start3A_26 = arith.constant 0 : i32
    %dma_start3A_27 = tpu.memref_slice %arg3[%dma_start3A_25, %dma_start3A_26] : memref<100000x128xf32, #tpu.memory_space<hbm>> -> memref<100000x128xf32, #tpu.memory_space<hbm>>
    tpu.enqueue_indirect_dma source(%dma_start3A_27 : memref<100000x128xf32, #tpu.memory_space<hbm>>) target(%dma_start3A_21 : memref<128x128xf32, #tpu.memory_space<vmem>>) offsets(%dma_start3A_24 : memref<128xi32, #tpu.memory_space<vmem>>) semaphore(%arg8 : memref<!tpu.dma_semaphore, #tpu.memory_space<semaphore_mem>>)
    %dma_start3A_28 = arith.constant 2 : i32
    %dma_start3A_29 = arith.constant 2 : i32
    %dma_start3A_30 = arith.constant 0 : i32
    %dma_start3A_31 = arith.constant 0 : i32
    %dma_start3A_32 = tpu.memref_slice %arg6[%dma_start3A_29, %dma_start3A_30, %dma_start3A_31] : memref<4x128x128xf32, #tpu.memory_space<vmem>> -> memref<1x128x128xf32, #tpu.memory_space<vmem>>
    %dma_start3A_33 = tpu.memref_squeeze %dma_start3A_32 : memref<1x128x128xf32, #tpu.memory_space<vmem>> -> memref<128x128xf32, #tpu.memory_space<vmem>>
    %dma_start3A_34 = arith.constant 0 : i32
    %dma_start3A_35 = tpu.memref_slice %arg5[%dma_start3A_28, %dma_start3A_34] : memref<4x128xi32, #tpu.memory_space<vmem>> -> memref<1x128xi32, #tpu.memory_space<vmem>>
    %dma_start3A_36 = tpu.memref_squeeze %dma_start3A_35 : memref<1x128xi32, #tpu.memory_space<vmem>> -> memref<128xi32, #tpu.memory_space<vmem>>
    %dma_start3A_37 = arith.constant 0 : i32
    %dma_start3A_38 = arith.constant 0 : i32
    %dma_start3A_39 = tpu.memref_slice %arg3[%dma_start3A_37, %dma_start3A_38] : memref<100000x128xf32, #tpu.memory_space<hbm>> -> memref<100000x128xf32, #tpu.memory_space<hbm>>
    tpu.enqueue_indirect_dma source(%dma_start3A_39 : memref<100000x128xf32, #tpu.memory_space<hbm>>) target(%dma_start3A_33 : memref<128x128xf32, #tpu.memory_space<vmem>>) offsets(%dma_start3A_36 : memref<128xi32, #tpu.memory_space<vmem>>) semaphore(%arg8 : memref<!tpu.dma_semaphore, #tpu.memory_space<semaphore_mem>>)
    %dma_start3A_40 = arith.constant 3 : i32
    %dma_start3A_41 = arith.constant 3 : i32
    %dma_start3A_42 = arith.constant 0 : i32
    %dma_start3A_43 = arith.constant 0 : i32
    %dma_start3A_44 = tpu.memref_slice %arg6[%dma_start3A_41, %dma_start3A_42, %dma_start3A_43] : memref<4x128x128xf32, #tpu.memory_space<vmem>> -> memref<1x128x128xf32, #tpu.memory_space<vmem>>
    %dma_start3A_45 = tpu.memref_squeeze %dma_start3A_44 : memref<1x128x128xf32, #tpu.memory_space<vmem>> -> memref<128x128xf32, #tpu.memory_space<vmem>>
    %dma_start3A_46 = arith.constant 0 : i32
    %dma_start3A_47 = tpu.memref_slice %arg5[%dma_start3A_40, %dma_start3A_46] : memref<4x128xi32, #tpu.memory_space<vmem>> -> memref<1x128xi32, #tpu.memory_space<vmem>>
    %dma_start3A_48 = tpu.memref_squeeze %dma_start3A_47 : memref<1x128xi32, #tpu.memory_space<vmem>> -> memref<128xi32, #tpu.memory_space<vmem>>
    %dma_start3A_49 = arith.constant 0 : i32
    %dma_start3A_50 = arith.constant 0 : i32
    %dma_start3A_51 = tpu.memref_slice %arg3[%dma_start3A_49, %dma_start3A_50] : memref<100000x128xf32, #tpu.memory_space<hbm>> -> memref<100000x128xf32, #tpu.memory_space<hbm>>
    tpu.enqueue_indirect_dma source(%dma_start3A_51 : memref<100000x128xf32, #tpu.memory_space<hbm>>) target(%dma_start3A_45 : memref<128x128xf32, #tpu.memory_space<vmem>>) offsets(%dma_start3A_48 : memref<128xi32, #tpu.memory_space<vmem>>) semaphore(%arg8 : memref<!tpu.dma_semaphore, #tpu.memory_space<semaphore_mem>>)
    %dma_wait3A = arith.constant 0 : i32
    %dma_wait3A_52 = arith.constant 0 : i32
    %dma_wait3A_53 = arith.constant 0 : i32
    %dma_wait3A_54 = arith.constant 0 : i32
    %dma_wait3A_55 = tpu.memref_slice %arg6[%dma_wait3A_52, %dma_wait3A_53, %dma_wait3A_54] : memref<4x128x128xf32, #tpu.memory_space<vmem>> -> memref<1x128x128xf32, #tpu.memory_space<vmem>>
    %dma_wait3A_56 = tpu.memref_squeeze %dma_wait3A_55 : memref<1x128x128xf32, #tpu.memory_space<vmem>> -> memref<128x128xf32, #tpu.memory_space<vmem>>
    %dma_wait3A_57 = arith.constant 0 : i32
    %dma_wait3A_58 = tpu.memref_slice %arg5[%dma_wait3A, %dma_wait3A_57] : memref<4x128xi32, #tpu.memory_space<vmem>> -> memref<1x128xi32, #tpu.memory_space<vmem>>
    %dma_wait3A_59 = tpu.memref_squeeze %dma_wait3A_58 : memref<1x128xi32, #tpu.memory_space<vmem>> -> memref<128xi32, #tpu.memory_space<vmem>>
    %dma_wait3A_60 = arith.constant 0 : i32
    %dma_wait3A_61 = arith.constant 0 : i32
    %dma_wait3A_62 = tpu.memref_slice %arg3[%dma_wait3A_60, %dma_wait3A_61] : memref<100000x128xf32, #tpu.memory_space<hbm>> -> memref<100000x128xf32, #tpu.memory_space<hbm>>
    tpu.wait_indirect_dma semaphore(%arg8 : memref<!tpu.dma_semaphore, #tpu.memory_space<semaphore_mem>>) src(%dma_wait3A_62 : memref<100000x128xf32, #tpu.memory_space<hbm>>) dst(%dma_wait3A_56 : memref<128x128xf32, #tpu.memory_space<vmem>>)
    %dma_wait3A_63 = arith.constant 1 : i32
    %dma_wait3A_64 = arith.constant 1 : i32
    %dma_wait3A_65 = arith.constant 0 : i32
    %dma_wait3A_66 = arith.constant 0 : i32
    %dma_wait3A_67 = tpu.memref_slice %arg6[%dma_wait3A_64, %dma_wait3A_65, %dma_wait3A_66] : memref<4x128x128xf32, #tpu.memory_space<vmem>> -> memref<1x128x128xf32, #tpu.memory_space<vmem>>
    %dma_wait3A_68 = tpu.memref_squeeze %dma_wait3A_67 : memref<1x128x128xf32, #tpu.memory_space<vmem>> -> memref<128x128xf32, #tpu.memory_space<vmem>>
    %dma_wait3A_69 = arith.constant 0 : i32
    %dma_wait3A_70 = tpu.memref_slice %arg5[%dma_wait3A_63, %dma_wait3A_69] : memref<4x128xi32, #tpu.memory_space<vmem>> -> memref<1x128xi32, #tpu.memory_space<vmem>>
    %dma_wait3A_71 = tpu.memref_squeeze %dma_wait3A_70 : memref<1x128xi32, #tpu.memory_space<vmem>> -> memref<128xi32, #tpu.memory_space<vmem>>
    %dma_wait3A_72 = arith.constant 0 : i32
    %dma_wait3A_73 = arith.constant 0 : i32
    %dma_wait3A_74 = tpu.memref_slice %arg3[%dma_wait3A_72, %dma_wait3A_73] : memref<100000x128xf32, #tpu.memory_space<hbm>> -> memref<100000x128xf32, #tpu.memory_space<hbm>>
    tpu.wait_indirect_dma semaphore(%arg8 : memref<!tpu.dma_semaphore, #tpu.memory_space<semaphore_mem>>) src(%dma_wait3A_74 : memref<100000x128xf32, #tpu.memory_space<hbm>>) dst(%dma_wait3A_68 : memref<128x128xf32, #tpu.memory_space<vmem>>)
    %dma_wait3A_75 = arith.constant 2 : i32
    %dma_wait3A_76 = arith.constant 2 : i32
    %dma_wait3A_77 = arith.constant 0 : i32
    %dma_wait3A_78 = arith.constant 0 : i32
    %dma_wait3A_79 = tpu.memref_slice %arg6[%dma_wait3A_76, %dma_wait3A_77, %dma_wait3A_78] : memref<4x128x128xf32, #tpu.memory_space<vmem>> -> memref<1x128x128xf32, #tpu.memory_space<vmem>>
    %dma_wait3A_80 = tpu.memref_squeeze %dma_wait3A_79 : memref<1x128x128xf32, #tpu.memory_space<vmem>> -> memref<128x128xf32, #tpu.memory_space<vmem>>
    %dma_wait3A_81 = arith.constant 0 : i32
    %dma_wait3A_82 = tpu.memref_slice %arg5[%dma_wait3A_75, %dma_wait3A_81] : memref<4x128xi32, #tpu.memory_space<vmem>> -> memref<1x128xi32, #tpu.memory_space<vmem>>
    %dma_wait3A_83 = tpu.memref_squeeze %dma_wait3A_82 : memref<1x128xi32, #tpu.memory_space<vmem>> -> memref<128xi32, #tpu.memory_space<vmem>>
    %dma_wait3A_84 = arith.constant 0 : i32
    %dma_wait3A_85 = arith.constant 0 : i32
    %dma_wait3A_86 = tpu.memref_slice %arg3[%dma_wait3A_84, %dma_wait3A_85] : memref<100000x128xf32, #tpu.memory_space<hbm>> -> memref<100000x128xf32, #tpu.memory_space<hbm>>
    tpu.wait_indirect_dma semaphore(%arg8 : memref<!tpu.dma_semaphore, #tpu.memory_space<semaphore_mem>>) src(%dma_wait3A_86 : memref<100000x128xf32, #tpu.memory_space<hbm>>) dst(%dma_wait3A_80 : memref<128x128xf32, #tpu.memory_space<vmem>>)
    %dma_wait3A_87 = arith.constant 3 : i32
    %dma_wait3A_88 = arith.constant 3 : i32
    %dma_wait3A_89 = arith.constant 0 : i32
    %dma_wait3A_90 = arith.constant 0 : i32
    %dma_wait3A_91 = tpu.memref_slice %arg6[%dma_wait3A_88, %dma_wait3A_89, %dma_wait3A_90] : memref<4x128x128xf32, #tpu.memory_space<vmem>> -> memref<1x128x128xf32, #tpu.memory_space<vmem>>
    %dma_wait3A_92 = tpu.memref_squeeze %dma_wait3A_91 : memref<1x128x128xf32, #tpu.memory_space<vmem>> -> memref<128x128xf32, #tpu.memory_space<vmem>>
    %dma_wait3A_93 = arith.constant 0 : i32
    %dma_wait3A_94 = tpu.memref_slice %arg5[%dma_wait3A_87, %dma_wait3A_93] : memref<4x128xi32, #tpu.memory_space<vmem>> -> memref<1x128xi32, #tpu.memory_space<vmem>>
    %dma_wait3A_95 = tpu.memref_squeeze %dma_wait3A_94 : memref<1x128xi32, #tpu.memory_space<vmem>> -> memref<128xi32, #tpu.memory_space<vmem>>
    %dma_wait3A_96 = arith.constant 0 : i32
    %dma_wait3A_97 = arith.constant 0 : i32
    %dma_wait3A_98 = tpu.memref_slice %arg3[%dma_wait3A_96, %dma_wait3A_97] : memref<100000x128xf32, #tpu.memory_space<hbm>> -> memref<100000x128xf32, #tpu.memory_space<hbm>>
    tpu.wait_indirect_dma semaphore(%arg8 : memref<!tpu.dma_semaphore, #tpu.memory_space<semaphore_mem>>) src(%dma_wait3A_98 : memref<100000x128xf32, #tpu.memory_space<hbm>>) dst(%dma_wait3A_92 : memref<128x128xf32, #tpu.memory_space<vmem>>)
    %scan3A = arith.constant 0 : i32
    %scan3A_99 = arith.constant 128 : i32
    %scan3A_100 = arith.addi %scan3A, %scan3A_99 : i32
    %scan3A_101 = arith.constant 1 : i32
    scf.for %scan3A_412 = %scan3A to %scan3A_100 step %scan3A_101  : i32 {
      %get3A = arith.constant 0 : i32
      %get3A_413 = arith.index_cast %get3A : i32 to index
      %get3A_414 = arith.index_cast %scan3A_412 : i32 to index
      %get3A_415 = arith.constant 0 : index
      %get3A_416 = tpu.vector_load %arg6[%get3A_413, %get3A_414, %get3A_415] {strides = array<i32>} : memref<4x128x128xf32, #tpu.memory_space<vmem>>, vector<1x1x16xf32>,
      %get3A_417 = vector.shape_cast %get3A_416 : vector<1x1x16xf32> to vector<16xf32>
      %swap3A = arith.index_cast %scan3A_412 : i32 to index
      %swap3A_418 = arith.constant 0 : index
      %swap3A_419 = tpu.vector_load %arg7[%swap3A, %swap3A_418] {strides = array<i32>} : memref<128x128xf32, #tpu.memory_space<vmem>>, vector<1x16xf32>,
      %swap3A_420 = vector.shape_cast %swap3A_419 : vector<1x16xf32> to vector<16xf32>
      %swap3A_421 = vector.shape_cast %get3A_417 : vector<16xf32> to vector<1x16xf32>
      tpu.vector_store %arg7[%swap3A, %swap3A_418], %swap3A_421 {strides = array<i32>} : memref<128x128xf32, #tpu.memory_space<vmem>>, vector<1x16xf32>,
      %get3A_422 = arith.constant 0 : i32
      %get3A_423 = arith.index_cast %get3A_422 : i32 to index
      %get3A_424 = arith.index_cast %scan3A_412 : i32 to index
      %get3A_425 = arith.constant 16 : index
      %get3A_426 = tpu.vector_load %arg6[%get3A_423, %get3A_424, %get3A_425] {strides = array<i32>} : memref<4x128x128xf32, #tpu.memory_space<vmem>>, vector<1x1x16xf32>,
      %get3A_427 = vector.shape_cast %get3A_426 : vector<1x1x16xf32> to vector<16xf32>
      %swap3A_428 = arith.index_cast %scan3A_412 : i32 to index
      %swap3A_429 = arith.constant 16 : index
      %swap3A_430 = tpu.vector_load %arg7[%swap3A_428, %swap3A_429] {strides = array<i32>} : memref<128x128xf32, #tpu.memory_space<vmem>>, vector<1x16xf32>,
      %swap3A_431 = vector.shape_cast %swap3A_430 : vector<1x16xf32> to vector<16xf32>
      %swap3A_432 = vector.shape_cast %get3A_427 : vector<16xf32> to vector<1x16xf32>
      tpu.vector_store %arg7[%swap3A_428, %swap3A_429], %swap3A_432 {strides = array<i32>} : memref<128x128xf32, #tpu.memory_space<vmem>>, vector<1x16xf32>,
      %get3A_433 = arith.constant 1 : i32
      %get3A_434 = arith.index_cast %get3A_433 : i32 to index
      %get3A_435 = arith.index_cast %scan3A_412 : i32 to index
      %get3A_436 = arith.constant 32 : index
      %get3A_437 = tpu.vector_load %arg6[%get3A_434, %get3A_435, %get3A_436] {strides = array<i32>} : memref<4x128x128xf32, #tpu.memory_space<vmem>>, vector<1x1x16xf32>,
      %get3A_438 = vector.shape_cast %get3A_437 : vector<1x1x16xf32> to vector<16xf32>
      %swap3A_439 = arith.index_cast %scan3A_412 : i32 to index
      %swap3A_440 = arith.constant 32 : index
      %swap3A_441 = tpu.vector_load %arg7[%swap3A_439, %swap3A_440] {strides = array<i32>} : memref<128x128xf32, #tpu.memory_space<vmem>>, vector<1x16xf32>,
      %swap3A_442 = vector.shape_cast %swap3A_441 : vector<1x16xf32> to vector<16xf32>
      %swap3A_443 = vector.shape_cast %get3A_438 : vector<16xf32> to vector<1x16xf32>
      tpu.vector_store %arg7[%swap3A_439, %swap3A_440], %swap3A_443 {strides = array<i32>} : memref<128x128xf32, #tpu.memory_space<vmem>>, vector<1x16xf32>,
      %get3A_444 = arith.constant 1 : i32
      %get3A_445 = arith.index_cast %get3A_444 : i32 to index
      %get3A_446 = arith.index_cast %scan3A_412 : i32 to index
      %get3A_447 = arith.constant 48 : index
      %get3A_448 = tpu.vector_load %arg6[%get3A_445, %get3A_446, %get3A_447] {strides = array<i32>} : memref<4x128x128xf32, #tpu.memory_space<vmem>>, vector<1x1x16xf32>,
      %get3A_449 = vector.shape_cast %get3A_448 : vector<1x1x16xf32> to vector<16xf32>
      %swap3A_450 = arith.index_cast %scan3A_412 : i32 to index
      %swap3A_451 = arith.constant 48 : index
      %swap3A_452 = tpu.vector_load %arg7[%swap3A_450, %swap3A_451] {strides = array<i32>} : memref<128x128xf32, #tpu.memory_space<vmem>>, vector<1x16xf32>,
      %swap3A_453 = vector.shape_cast %swap3A_452 : vector<1x16xf32> to vector<16xf32>
      %swap3A_454 = vector.shape_cast %get3A_449 : vector<16xf32> to vector<1x16xf32>
      tpu.vector_store %arg7[%swap3A_450, %swap3A_451], %swap3A_454 {strides = array<i32>} : memref<128x128xf32, #tpu.memory_space<vmem>>, vector<1x16xf32>,
      %get3A_455 = arith.constant 2 : i32
      %get3A_456 = arith.index_cast %get3A_455 : i32 to index
      %get3A_457 = arith.index_cast %scan3A_412 : i32 to index
      %get3A_458 = arith.constant 64 : index
      %get3A_459 = tpu.vector_load %arg6[%get3A_456, %get3A_457, %get3A_458] {strides = array<i32>} : memref<4x128x128xf32, #tpu.memory_space<vmem>>, vector<1x1x16xf32>,
      %get3A_460 = vector.shape_cast %get3A_459 : vector<1x1x16xf32> to vector<16xf32>
      %swap3A_461 = arith.index_cast %scan3A_412 : i32 to index
      %swap3A_462 = arith.constant 64 : index
      %swap3A_463 = tpu.vector_load %arg7[%swap3A_461, %swap3A_462] {strides = array<i32>} : memref<128x128xf32, #tpu.memory_space<vmem>>, vector<1x16xf32>,
      %swap3A_464 = vector.shape_cast %swap3A_463 : vector<1x16xf32> to vector<16xf32>
      %swap3A_465 = vector.shape_cast %get3A_460 : vector<16xf32> to vector<1x16xf32>
      tpu.vector_store %arg7[%swap3A_461, %swap3A_462], %swap3A_465 {strides = array<i32>} : memref<128x128xf32, #tpu.memory_space<vmem>>, vector<1x16xf32>,
      %get3A_466 = arith.constant 2 : i32
      %get3A_467 = arith.index_cast %get3A_466 : i32 to index
      %get3A_468 = arith.index_cast %scan3A_412 : i32 to index
      %get3A_469 = arith.constant 80 : index
      %get3A_470 = tpu.vector_load %arg6[%get3A_467, %get3A_468, %get3A_469] {strides = array<i32>} : memref<4x128x128xf32, #tpu.memory_space<vmem>>, vector<1x1x16xf32>,
      %get3A_471 = vector.shape_cast %get3A_470 : vector<1x1x16xf32> to vector<16xf32>
      %swap3A_472 = arith.index_cast %scan3A_412 : i32 to index
      %swap3A_473 = arith.constant 80 : index
      %swap3A_474 = tpu.vector_load %arg7[%swap3A_472, %swap3A_473] {strides = array<i32>} : memref<128x128xf32, #tpu.memory_space<vmem>>, vector<1x16xf32>,
      %swap3A_475 = vector.shape_cast %swap3A_474 : vector<1x16xf32> to vector<16xf32>
      %swap3A_476 = vector.shape_cast %get3A_471 : vector<16xf32> to vector<1x16xf32>
      tpu.vector_store %arg7[%swap3A_472, %swap3A_473], %swap3A_476 {strides = array<i32>} : memref<128x128xf32, #tpu.memory_space<vmem>>, vector<1x16xf32>,
      %get3A_477 = arith.constant 3 : i32
      %get3A_478 = arith.index_cast %get3A_477 : i32 to index
      %get3A_479 = arith.index_cast %scan3A_412 : i32 to index
      %get3A_480 = arith.constant 96 : index
      %get3A_481 = tpu.vector_load %arg6[%get3A_478, %get3A_479, %get3A_480] {strides = array<i32>} : memref<4x128x128xf32, #tpu.memory_space<vmem>>, vector<1x1x16xf32>,
      %get3A_482 = vector.shape_cast %get3A_481 : vector<1x1x16xf32> to vector<16xf32>
      %swap3A_483 = arith.index_cast %scan3A_412 : i32 to index
      %swap3A_484 = arith.constant 96 : index
      %swap3A_485 = tpu.vector_load %arg7[%swap3A_483, %swap3A_484] {strides = array<i32>} : memref<128x128xf32, #tpu.memory_space<vmem>>, vector<1x16xf32>,
      %swap3A_486 = vector.shape_cast %swap3A_485 : vector<1x16xf32> to vector<16xf32>
      %swap3A_487 = vector.shape_cast %get3A_482 : vector<16xf32> to vector<1x16xf32>
      tpu.vector_store %arg7[%swap3A_483, %swap3A_484], %swap3A_487 {strides = array<i32>} : memref<128x128xf32, #tpu.memory_space<vmem>>, vector<1x16xf32>,
      %get3A_488 = arith.constant 3 : i32
      %get3A_489 = arith.index_cast %get3A_488 : i32 to index
      %get3A_490 = arith.index_cast %scan3A_412 : i32 to index
      %get3A_491 = arith.constant 112 : index
      %get3A_492 = tpu.vector_load %arg6[%get3A_489, %get3A_490, %get3A_491] {strides = array<i32>} : memref<4x128x128xf32, #tpu.memory_space<vmem>>, vector<1x1x16xf32>,
      %get3A_493 = vector.shape_cast %get3A_492 : vector<1x1x16xf32> to vector<16xf32>
      %swap3A_494 = arith.index_cast %scan3A_412 : i32 to index
      %swap3A_495 = arith.constant 112 : index
      %swap3A_496 = tpu.vector_load %arg7[%swap3A_494, %swap3A_495] {strides = array<i32>} : memref<128x128xf32, #tpu.memory_space<vmem>>, vector<1x16xf32>,
      %swap3A_497 = vector.shape_cast %swap3A_496 : vector<1x16xf32> to vector<16xf32>
      %swap3A_498 = vector.shape_cast %get3A_493 : vector<16xf32> to vector<1x16xf32>
      tpu.vector_store %arg7[%swap3A_494, %swap3A_495], %swap3A_498 {strides = array<i32>} : memref<128x128xf32, #tpu.memory_space<vmem>>, vector<1x16xf32>,
    }
    %scan3A_102 = arith.constant 128 : i32
    "tpu.region"() ({
      %run_scoped3A = tpu.sem_alloc : memref<!tpu.dma_semaphore, #tpu.memory_space<semaphore_mem>>
      %dma_start3A_412 = arith.constant 0 : i32
      %dma_start3A_413 = tpu.memref_slice %arg4[%add3A_4, %dma_start3A_412] : memref<16384x128xf32, #tpu.memory_space<hbm>> -> memref<128x128xf32, #tpu.memory_space<hbm>>
      %dma_start3A_414 = arith.constant 0 : i32
      %dma_start3A_415 = tpu.memref_slice %arg4[%add3A_4, %dma_start3A_414] : memref<16384x128xf32, #tpu.memory_space<hbm>> -> memref<128x128xf32, #tpu.memory_space<hbm>>
      tpu.enqueue_dma source(%arg7 : memref<128x128xf32, #tpu.memory_space<vmem>>) target(%dma_start3A_415 : memref<128x128xf32, #tpu.memory_space<hbm>>) target_semaphore(%run_scoped3A : memref<!tpu.dma_semaphore, #tpu.memory_space<semaphore_mem>>)
      %dma_wait3A_416 = arith.constant 0 : i32
      %dma_wait3A_417 = tpu.memref_slice %arg4[%add3A_4, %dma_wait3A_416] : memref<16384x128xf32, #tpu.memory_space<hbm>> -> memref<128x128xf32, #tpu.memory_space<hbm>>
      %dma_wait3A_418 = arith.constant 0 : i32
      %dma_wait3A_419 = tpu.memref_slice %arg4[%add3A_4, %dma_wait3A_418] : memref<16384x128xf32, #tpu.memory_space<hbm>> -> memref<128x128xf32, #tpu.memory_space<hbm>>
      tpu.wait_dma2 semaphore(%run_scoped3A : memref<!tpu.dma_semaphore, #tpu.memory_space<semaphore_mem>>) src(%arg7 : memref<128x128xf32, #tpu.memory_space<vmem>>) dst(%dma_wait3A_419 : memref<128x128xf32, #tpu.memory_space<hbm>>)
      tpu.yield
    }) : () -> ()
    %add3A_103 = arith.constant 128 : i32
    %add3A_104 = arith.addi %mul3A_2, %add3A_103 : i32
    "tpu.region"() ({
      %run_scoped3A = tpu.sem_alloc : memref<!tpu.dma_semaphore, #tpu.memory_space<semaphore_mem>>
      %dma_start3A_412 = arith.constant 0 : i32
      %dma_start3A_413 = tpu.memref_slice %arg2[%dma_start3A_412, %add3A_104] : memref<4x16384xi32, #tpu.memory_space<hbm>> -> memref<4x128xi32, #tpu.memory_space<hbm>>
      %dma_start3A_414 = arith.constant 0 : i32
      %dma_start3A_415 = tpu.memref_slice %arg2[%dma_start3A_414, %add3A_104] : memref<4x16384xi32, #tpu.memory_space<hbm>> -> memref<4x128xi32, #tpu.memory_space<hbm>>
      tpu.enqueue_dma source(%dma_start3A_415 : memref<4x128xi32, #tpu.memory_space<hbm>>) target(%arg5 : memref<4x128xi32, #tpu.memory_space<vmem>>) target_semaphore(%run_scoped3A : memref<!tpu.dma_semaphore, #tpu.memory_space<semaphore_mem>>)
      %dma_wait3A_416 = arith.constant 0 : i32
      %dma_wait3A_417 = tpu.memref_slice %arg2[%dma_wait3A_416, %add3A_104] : memref<4x16384xi32, #tpu.memory_space<hbm>> -> memref<4x128xi32, #tpu.memory_space<hbm>>
      %dma_wait3A_418 = arith.constant 0 : i32
      %dma_wait3A_419 = tpu.memref_slice %arg2[%dma_wait3A_418, %add3A_104] : memref<4x16384xi32, #tpu.memory_space<hbm>> -> memref<4x128xi32, #tpu.memory_space<hbm>>
      tpu.wait_dma2 semaphore(%run_scoped3A : memref<!tpu.dma_semaphore, #tpu.memory_space<semaphore_mem>>) src(%dma_wait3A_419 : memref<4x128xi32, #tpu.memory_space<hbm>>) dst(%arg5 : memref<4x128xi32, #tpu.memory_space<vmem>>)
      tpu.yield
    }) : () -> ()
    %dma_start3A_105 = arith.constant 0 : i32
    %dma_start3A_106 = arith.constant 0 : i32
    %dma_start3A_107 = arith.constant 0 : i32
    %dma_start3A_108 = arith.constant 0 : i32
    %dma_start3A_109 = tpu.memref_slice %arg6[%dma_start3A_106, %dma_start3A_107, %dma_start3A_108] : memref<4x128x128xf32, #tpu.memory_space<vmem>> -> memref<1x128x128xf32, #tpu.memory_space<vmem>>
    %dma_start3A_110 = tpu.memref_squeeze %dma_start3A_109 : memref<1x128x128xf32, #tpu.memory_space<vmem>> -> memref<128x128xf32, #tpu.memory_space<vmem>>
    %dma_start3A_111 = arith.constant 0 : i32
    %dma_start3A_112 = tpu.memref_slice %arg5[%dma_start3A_105, %dma_start3A_111] : memref<4x128xi32, #tpu.memory_space<vmem>> -> memref<1x128xi32, #tpu.memory_space<vmem>>
    %dma_start3A_113 = tpu.memref_squeeze %dma_start3A_112 : memref<1x128xi32, #tpu.memory_space<vmem>> -> memref<128xi32, #tpu.memory_space<vmem>>
    %dma_start3A_114 = arith.constant 0 : i32
    %dma_start3A_115 = arith.constant 0 : i32
    %dma_start3A_116 = tpu.memref_slice %arg3[%dma_start3A_114, %dma_start3A_115] : memref<100000x128xf32, #tpu.memory_space<hbm>> -> memref<100000x128xf32, #tpu.memory_space<hbm>>
    tpu.enqueue_indirect_dma source(%dma_start3A_116 : memref<100000x128xf32, #tpu.memory_space<hbm>>) target(%dma_start3A_110 : memref<128x128xf32, #tpu.memory_space<vmem>>) offsets(%dma_start3A_113 : memref<128xi32, #tpu.memory_space<vmem>>) semaphore(%arg8 : memref<!tpu.dma_semaphore, #tpu.memory_space<semaphore_mem>>)
    %dma_start3A_117 = arith.constant 1 : i32
    %dma_start3A_118 = arith.constant 1 : i32
    %dma_start3A_119 = arith.constant 0 : i32
    %dma_start3A_120 = arith.constant 0 : i32
    %dma_start3A_121 = tpu.memref_slice %arg6[%dma_start3A_118, %dma_start3A_119, %dma_start3A_120] : memref<4x128x128xf32, #tpu.memory_space<vmem>> -> memref<1x128x128xf32, #tpu.memory_space<vmem>>
    %dma_start3A_122 = tpu.memref_squeeze %dma_start3A_121 : memref<1x128x128xf32, #tpu.memory_space<vmem>> -> memref<128x128xf32, #tpu.memory_space<vmem>>
    %dma_start3A_123 = arith.constant 0 : i32
    %dma_start3A_124 = tpu.memref_slice %arg5[%dma_start3A_117, %dma_start3A_123] : memref<4x128xi32, #tpu.memory_space<vmem>> -> memref<1x128xi32, #tpu.memory_space<vmem>>
    %dma_start3A_125 = tpu.memref_squeeze %dma_start3A_124 : memref<1x128xi32, #tpu.memory_space<vmem>> -> memref<128xi32, #tpu.memory_space<vmem>>
    %dma_start3A_126 = arith.constant 0 : i32
    %dma_start3A_127 = arith.constant 0 : i32
    %dma_start3A_128 = tpu.memref_slice %arg3[%dma_start3A_126, %dma_start3A_127] : memref<100000x128xf32, #tpu.memory_space<hbm>> -> memref<100000x128xf32, #tpu.memory_space<hbm>>
    tpu.enqueue_indirect_dma source(%dma_start3A_128 : memref<100000x128xf32, #tpu.memory_space<hbm>>) target(%dma_start3A_122 : memref<128x128xf32, #tpu.memory_space<vmem>>) offsets(%dma_start3A_125 : memref<128xi32, #tpu.memory_space<vmem>>) semaphore(%arg8 : memref<!tpu.dma_semaphore, #tpu.memory_space<semaphore_mem>>)
    %dma_start3A_129 = arith.constant 2 : i32
    %dma_start3A_130 = arith.constant 2 : i32
    %dma_start3A_131 = arith.constant 0 : i32
    %dma_start3A_132 = arith.constant 0 : i32
    %dma_start3A_133 = tpu.memref_slice %arg6[%dma_start3A_130, %dma_start3A_131, %dma_start3A_132] : memref<4x128x128xf32, #tpu.memory_space<vmem>> -> memref<1x128x128xf32, #tpu.memory_space<vmem>>
    %dma_start3A_134 = tpu.memref_squeeze %dma_start3A_133 : memref<1x128x128xf32, #tpu.memory_space<vmem>> -> memref<128x128xf32, #tpu.memory_space<vmem>>
    %dma_start3A_135 = arith.constant 0 : i32
    %dma_start3A_136 = tpu.memref_slice %arg5[%dma_start3A_129, %dma_start3A_135] : memref<4x128xi32, #tpu.memory_space<vmem>> -> memref<1x128xi32, #tpu.memory_space<vmem>>
    %dma_start3A_137 = tpu.memref_squeeze %dma_start3A_136 : memref<1x128xi32, #tpu.memory_space<vmem>> -> memref<128xi32, #tpu.memory_space<vmem>>
    %dma_start3A_138 = arith.constant 0 : i32
    %dma_start3A_139 = arith.constant 0 : i32
    %dma_start3A_140 = tpu.memref_slice %arg3[%dma_start3A_138, %dma_start3A_139] : memref<100000x128xf32, #tpu.memory_space<hbm>> -> memref<100000x128xf32, #tpu.memory_space<hbm>>
    tpu.enqueue_indirect_dma source(%dma_start3A_140 : memref<100000x128xf32, #tpu.memory_space<hbm>>) target(%dma_start3A_134 : memref<128x128xf32, #tpu.memory_space<vmem>>) offsets(%dma_start3A_137 : memref<128xi32, #tpu.memory_space<vmem>>) semaphore(%arg8 : memref<!tpu.dma_semaphore, #tpu.memory_space<semaphore_mem>>)
    %dma_start3A_141 = arith.constant 3 : i32
    %dma_start3A_142 = arith.constant 3 : i32
    %dma_start3A_143 = arith.constant 0 : i32
    %dma_start3A_144 = arith.constant 0 : i32
    %dma_start3A_145 = tpu.memref_slice %arg6[%dma_start3A_142, %dma_start3A_143, %dma_start3A_144] : memref<4x128x128xf32, #tpu.memory_space<vmem>> -> memref<1x128x128xf32, #tpu.memory_space<vmem>>
    %dma_start3A_146 = tpu.memref_squeeze %dma_start3A_145 : memref<1x128x128xf32, #tpu.memory_space<vmem>> -> memref<128x128xf32, #tpu.memory_space<vmem>>
    %dma_start3A_147 = arith.constant 0 : i32
    %dma_start3A_148 = tpu.memref_slice %arg5[%dma_start3A_141, %dma_start3A_147] : memref<4x128xi32, #tpu.memory_space<vmem>> -> memref<1x128xi32, #tpu.memory_space<vmem>>
    %dma_start3A_149 = tpu.memref_squeeze %dma_start3A_148 : memref<1x128xi32, #tpu.memory_space<vmem>> -> memref<128xi32, #tpu.memory_space<vmem>>
    %dma_start3A_150 = arith.constant 0 : i32
    %dma_start3A_151 = arith.constant 0 : i32
    %dma_start3A_152 = tpu.memref_slice %arg3[%dma_start3A_150, %dma_start3A_151] : memref<100000x128xf32, #tpu.memory_space<hbm>> -> memref<100000x128xf32, #tpu.memory_space<hbm>>
    tpu.enqueue_indirect_dma source(%dma_start3A_152 : memref<100000x128xf32, #tpu.memory_space<hbm>>) target(%dma_start3A_146 : memref<128x128xf32, #tpu.memory_space<vmem>>) offsets(%dma_start3A_149 : memref<128xi32, #tpu.memory_space<vmem>>) semaphore(%arg8 : memref<!tpu.dma_semaphore, #tpu.memory_space<semaphore_mem>>)
    %dma_wait3A_153 = arith.constant 0 : i32
    %dma_wait3A_154 = arith.constant 0 : i32
    %dma_wait3A_155 = arith.constant 0 : i32
    %dma_wait3A_156 = arith.constant 0 : i32
    %dma_wait3A_157 = tpu.memref_slice %arg6[%dma_wait3A_154, %dma_wait3A_155, %dma_wait3A_156] : memref<4x128x128xf32, #tpu.memory_space<vmem>> -> memref<1x128x128xf32, #tpu.memory_space<vmem>>
    %dma_wait3A_158 = tpu.memref_squeeze %dma_wait3A_157 : memref<1x128x128xf32, #tpu.memory_space<vmem>> -> memref<128x128xf32, #tpu.memory_space<vmem>>
    %dma_wait3A_159 = arith.constant 0 : i32
    %dma_wait3A_160 = tpu.memref_slice %arg5[%dma_wait3A_153, %dma_wait3A_159] : memref<4x128xi32, #tpu.memory_space<vmem>> -> memref<1x128xi32, #tpu.memory_space<vmem>>
    %dma_wait3A_161 = tpu.memref_squeeze %dma_wait3A_160 : memref<1x128xi32, #tpu.memory_space<vmem>> -> memref<128xi32, #tpu.memory_space<vmem>>
    %dma_wait3A_162 = arith.constant 0 : i32
    %dma_wait3A_163 = arith.constant 0 : i32
    %dma_wait3A_164 = tpu.memref_slice %arg3[%dma_wait3A_162, %dma_wait3A_163] : memref<100000x128xf32, #tpu.memory_space<hbm>> -> memref<100000x128xf32, #tpu.memory_space<hbm>>
    tpu.wait_indirect_dma semaphore(%arg8 : memref<!tpu.dma_semaphore, #tpu.memory_space<semaphore_mem>>) src(%dma_wait3A_164 : memref<100000x128xf32, #tpu.memory_space<hbm>>) dst(%dma_wait3A_158 : memref<128x128xf32, #tpu.memory_space<vmem>>)
    %dma_wait3A_165 = arith.constant 1 : i32
    %dma_wait3A_166 = arith.constant 1 : i32
    %dma_wait3A_167 = arith.constant 0 : i32
    %dma_wait3A_168 = arith.constant 0 : i32
    %dma_wait3A_169 = tpu.memref_slice %arg6[%dma_wait3A_166, %dma_wait3A_167, %dma_wait3A_168] : memref<4x128x128xf32, #tpu.memory_space<vmem>> -> memref<1x128x128xf32, #tpu.memory_space<vmem>>
    %dma_wait3A_170 = tpu.memref_squeeze %dma_wait3A_169 : memref<1x128x128xf32, #tpu.memory_space<vmem>> -> memref<128x128xf32, #tpu.memory_space<vmem>>
    %dma_wait3A_171 = arith.constant 0 : i32
    %dma_wait3A_172 = tpu.memref_slice %arg5[%dma_wait3A_165, %dma_wait3A_171] : memref<4x128xi32, #tpu.memory_space<vmem>> -> memref<1x128xi32, #tpu.memory_space<vmem>>
    %dma_wait3A_173 = tpu.memref_squeeze %dma_wait3A_172 : memref<1x128xi32, #tpu.memory_space<vmem>> -> memref<128xi32, #tpu.memory_space<vmem>>
    %dma_wait3A_174 = arith.constant 0 : i32
    %dma_wait3A_175 = arith.constant 0 : i32
    %dma_wait3A_176 = tpu.memref_slice %arg3[%dma_wait3A_174, %dma_wait3A_175] : memref<100000x128xf32, #tpu.memory_space<hbm>> -> memref<100000x128xf32, #tpu.memory_space<hbm>>
    tpu.wait_indirect_dma semaphore(%arg8 : memref<!tpu.dma_semaphore, #tpu.memory_space<semaphore_mem>>) src(%dma_wait3A_176 : memref<100000x128xf32, #tpu.memory_space<hbm>>) dst(%dma_wait3A_170 : memref<128x128xf32, #tpu.memory_space<vmem>>)
    %dma_wait3A_177 = arith.constant 2 : i32
    %dma_wait3A_178 = arith.constant 2 : i32
    %dma_wait3A_179 = arith.constant 0 : i32
    %dma_wait3A_180 = arith.constant 0 : i32
    %dma_wait3A_181 = tpu.memref_slice %arg6[%dma_wait3A_178, %dma_wait3A_179, %dma_wait3A_180] : memref<4x128x128xf32, #tpu.memory_space<vmem>> -> memref<1x128x128xf32, #tpu.memory_space<vmem>>
    %dma_wait3A_182 = tpu.memref_squeeze %dma_wait3A_181 : memref<1x128x128xf32, #tpu.memory_space<vmem>> -> memref<128x128xf32, #tpu.memory_space<vmem>>
    %dma_wait3A_183 = arith.constant 0 : i32
    %dma_wait3A_184 = tpu.memref_slice %arg5[%dma_wait3A_177, %dma_wait3A_183] : memref<4x128xi32, #tpu.memory_space<vmem>> -> memref<1x128xi32, #tpu.memory_space<vmem>>
    %dma_wait3A_185 = tpu.memref_squeeze %dma_wait3A_184 : memref<1x128xi32, #tpu.memory_space<vmem>> -> memref<128xi32, #tpu.memory_space<vmem>>
    %dma_wait3A_186 = arith.constant 0 : i32
    %dma_wait3A_187 = arith.constant 0 : i32
    %dma_wait3A_188 = tpu.memref_slice %arg3[%dma_wait3A_186, %dma_wait3A_187] : memref<100000x128xf32, #tpu.memory_space<hbm>> -> memref<100000x128xf32, #tpu.memory_space<hbm>>
    tpu.wait_indirect_dma semaphore(%arg8 : memref<!tpu.dma_semaphore, #tpu.memory_space<semaphore_mem>>) src(%dma_wait3A_188 : memref<100000x128xf32, #tpu.memory_space<hbm>>) dst(%dma_wait3A_182 : memref<128x128xf32, #tpu.memory_space<vmem>>)
    %dma_wait3A_189 = arith.constant 3 : i32
    %dma_wait3A_190 = arith.constant 3 : i32
    %dma_wait3A_191 = arith.constant 0 : i32
    %dma_wait3A_192 = arith.constant 0 : i32
    %dma_wait3A_193 = tpu.memref_slice %arg6[%dma_wait3A_190, %dma_wait3A_191, %dma_wait3A_192] : memref<4x128x128xf32, #tpu.memory_space<vmem>> -> memref<1x128x128xf32, #tpu.memory_space<vmem>>
    %dma_wait3A_194 = tpu.memref_squeeze %dma_wait3A_193 : memref<1x128x128xf32, #tpu.memory_space<vmem>> -> memref<128x128xf32, #tpu.memory_space<vmem>>
    %dma_wait3A_195 = arith.constant 0 : i32
    %dma_wait3A_196 = tpu.memref_slice %arg5[%dma_wait3A_189, %dma_wait3A_195] : memref<4x128xi32, #tpu.memory_space<vmem>> -> memref<1x128xi32, #tpu.memory_space<vmem>>
    %dma_wait3A_197 = tpu.memref_squeeze %dma_wait3A_196 : memref<1x128xi32, #tpu.memory_space<vmem>> -> memref<128xi32, #tpu.memory_space<vmem>>
    %dma_wait3A_198 = arith.constant 0 : i32
    %dma_wait3A_199 = arith.constant 0 : i32
    %dma_wait3A_200 = tpu.memref_slice %arg3[%dma_wait3A_198, %dma_wait3A_199] : memref<100000x128xf32, #tpu.memory_space<hbm>> -> memref<100000x128xf32, #tpu.memory_space<hbm>>
    tpu.wait_indirect_dma semaphore(%arg8 : memref<!tpu.dma_semaphore, #tpu.memory_space<semaphore_mem>>) src(%dma_wait3A_200 : memref<100000x128xf32, #tpu.memory_space<hbm>>) dst(%dma_wait3A_194 : memref<128x128xf32, #tpu.memory_space<vmem>>)
    %scan3A_201 = arith.constant 0 : i32
    %scan3A_202 = arith.constant 128 : i32
    %scan3A_203 = arith.addi %scan3A_201, %scan3A_202 : i32
    %scan3A_204 = arith.constant 1 : i32
    scf.for %scan3A_412 = %scan3A_201 to %scan3A_203 step %scan3A_204  : i32 {
      %get3A = arith.constant 0 : i32
      %get3A_413 = arith.index_cast %get3A : i32 to index
      %get3A_414 = arith.index_cast %scan3A_412 : i32 to index
      %get3A_415 = arith.constant 0 : index
      %get3A_416 = tpu.vector_load %arg6[%get3A_413, %get3A_414, %get3A_415] {strides = array<i32>} : memref<4x128x128xf32, #tpu.memory_space<vmem>>, vector<1x1x16xf32>,
      %get3A_417 = vector.shape_cast %get3A_416 : vector<1x1x16xf32> to vector<16xf32>
      %swap3A = arith.index_cast %scan3A_412 : i32 to index
      %swap3A_418 = arith.constant 0 : index
      %swap3A_419 = tpu.vector_load %arg7[%swap3A, %swap3A_418] {strides = array<i32>} : memref<128x128xf32, #tpu.memory_space<vmem>>, vector<1x16xf32>,
      %swap3A_420 = vector.shape_cast %swap3A_419 : vector<1x16xf32> to vector<16xf32>
      %swap3A_421 = vector.shape_cast %get3A_417 : vector<16xf32> to vector<1x16xf32>
      tpu.vector_store %arg7[%swap3A, %swap3A_418], %swap3A_421 {strides = array<i32>} : memref<128x128xf32, #tpu.memory_space<vmem>>, vector<1x16xf32>,
      %get3A_422 = arith.constant 0 : i32
      %get3A_423 = arith.index_cast %get3A_422 : i32 to index
      %get3A_424 = arith.index_cast %scan3A_412 : i32 to index
      %get3A_425 = arith.constant 16 : index
      %get3A_426 = tpu.vector_load %arg6[%get3A_423, %get3A_424, %get3A_425] {strides = array<i32>} : memref<4x128x128xf32, #tpu.memory_space<vmem>>, vector<1x1x16xf32>,
      %get3A_427 = vector.shape_cast %get3A_426 : vector<1x1x16xf32> to vector<16xf32>
      %swap3A_428 = arith.index_cast %scan3A_412 : i32 to index
      %swap3A_429 = arith.constant 16 : index
      %swap3A_430 = tpu.vector_load %arg7[%swap3A_428, %swap3A_429] {strides = array<i32>} : memref<128x128xf32, #tpu.memory_space<vmem>>, vector<1x16xf32>,
      %swap3A_431 = vector.shape_cast %swap3A_430 : vector<1x16xf32> to vector<16xf32>
      %swap3A_432 = vector.shape_cast %get3A_427 : vector<16xf32> to vector<1x16xf32>
      tpu.vector_store %arg7[%swap3A_428, %swap3A_429], %swap3A_432 {strides = array<i32>} : memref<128x128xf32, #tpu.memory_space<vmem>>, vector<1x16xf32>,
      %get3A_433 = arith.constant 1 : i32
      %get3A_434 = arith.index_cast %get3A_433 : i32 to index
      %get3A_435 = arith.index_cast %scan3A_412 : i32 to index
      %get3A_436 = arith.constant 32 : index
      %get3A_437 = tpu.vector_load %arg6[%get3A_434, %get3A_435, %get3A_436] {strides = array<i32>} : memref<4x128x128xf32, #tpu.memory_space<vmem>>, vector<1x1x16xf32>,
      %get3A_438 = vector.shape_cast %get3A_437 : vector<1x1x16xf32> to vector<16xf32>
      %swap3A_439 = arith.index_cast %scan3A_412 : i32 to index
      %swap3A_440 = arith.constant 32 : index
      %swap3A_441 = tpu.vector_load %arg7[%swap3A_439, %swap3A_440] {strides = array<i32>} : memref<128x128xf32, #tpu.memory_space<vmem>>, vector<1x16xf32>,
      %swap3A_442 = vector.shape_cast %swap3A_441 : vector<1x16xf32> to vector<16xf32>
      %swap3A_443 = vector.shape_cast %get3A_438 : vector<16xf32> to vector<1x16xf32>
      tpu.vector_store %arg7[%swap3A_439, %swap3A_440], %swap3A_443 {strides = array<i32>} : memref<128x128xf32, #tpu.memory_space<vmem>>, vector<1x16xf32>,
      %get3A_444 = arith.constant 1 : i32
      %get3A_445 = arith.index_cast %get3A_444 : i32 to index
      %get3A_446 = arith.index_cast %scan3A_412 : i32 to index
      %get3A_447 = arith.constant 48 : index
      %get3A_448 = tpu.vector_load %arg6[%get3A_445, %get3A_446, %get3A_447] {strides = array<i32>} : memref<4x128x128xf32, #tpu.memory_space<vmem>>, vector<1x1x16xf32>,
      %get3A_449 = vector.shape_cast %get3A_448 : vector<1x1x16xf32> to vector<16xf32>
      %swap3A_450 = arith.index_cast %scan3A_412 : i32 to index
      %swap3A_451 = arith.constant 48 : index
      %swap3A_452 = tpu.vector_load %arg7[%swap3A_450, %swap3A_451] {strides = array<i32>} : memref<128x128xf32, #tpu.memory_space<vmem>>, vector<1x16xf32>,
      %swap3A_453 = vector.shape_cast %swap3A_452 : vector<1x16xf32> to vector<16xf32>
      %swap3A_454 = vector.shape_cast %get3A_449 : vector<16xf32> to vector<1x16xf32>
      tpu.vector_store %arg7[%swap3A_450, %swap3A_451], %swap3A_454 {strides = array<i32>} : memref<128x128xf32, #tpu.memory_space<vmem>>, vector<1x16xf32>,
      %get3A_455 = arith.constant 2 : i32
      %get3A_456 = arith.index_cast %get3A_455 : i32 to index
      %get3A_457 = arith.index_cast %scan3A_412 : i32 to index
      %get3A_458 = arith.constant 64 : index
      %get3A_459 = tpu.vector_load %arg6[%get3A_456, %get3A_457, %get3A_458] {strides = array<i32>} : memref<4x128x128xf32, #tpu.memory_space<vmem>>, vector<1x1x16xf32>,
      %get3A_460 = vector.shape_cast %get3A_459 : vector<1x1x16xf32> to vector<16xf32>
      %swap3A_461 = arith.index_cast %scan3A_412 : i32 to index
      %swap3A_462 = arith.constant 64 : index
      %swap3A_463 = tpu.vector_load %arg7[%swap3A_461, %swap3A_462] {strides = array<i32>} : memref<128x128xf32, #tpu.memory_space<vmem>>, vector<1x16xf32>,
      %swap3A_464 = vector.shape_cast %swap3A_463 : vector<1x16xf32> to vector<16xf32>
      %swap3A_465 = vector.shape_cast %get3A_460 : vector<16xf32> to vector<1x16xf32>
      tpu.vector_store %arg7[%swap3A_461, %swap3A_462], %swap3A_465 {strides = array<i32>} : memref<128x128xf32, #tpu.memory_space<vmem>>, vector<1x16xf32>,
      %get3A_466 = arith.constant 2 : i32
      %get3A_467 = arith.index_cast %get3A_466 : i32 to index
      %get3A_468 = arith.index_cast %scan3A_412 : i32 to index
      %get3A_469 = arith.constant 80 : index
      %get3A_470 = tpu.vector_load %arg6[%get3A_467, %get3A_468, %get3A_469] {strides = array<i32>} : memref<4x128x128xf32, #tpu.memory_space<vmem>>, vector<1x1x16xf32>,
      %get3A_471 = vector.shape_cast %get3A_470 : vector<1x1x16xf32> to vector<16xf32>
      %swap3A_472 = arith.index_cast %scan3A_412 : i32 to index
      %swap3A_473 = arith.constant 80 : index
      %swap3A_474 = tpu.vector_load %arg7[%swap3A_472, %swap3A_473] {strides = array<i32>} : memref<128x128xf32, #tpu.memory_space<vmem>>, vector<1x16xf32>,
      %swap3A_475 = vector.shape_cast %swap3A_474 : vector<1x16xf32> to vector<16xf32>
      %swap3A_476 = vector.shape_cast %get3A_471 : vector<16xf32> to vector<1x16xf32>
      tpu.vector_store %arg7[%swap3A_472, %swap3A_473], %swap3A_476 {strides = array<i32>} : memref<128x128xf32, #tpu.memory_space<vmem>>, vector<1x16xf32>,
      %get3A_477 = arith.constant 3 : i32
      %get3A_478 = arith.index_cast %get3A_477 : i32 to index
      %get3A_479 = arith.index_cast %scan3A_412 : i32 to index
      %get3A_480 = arith.constant 96 : index
      %get3A_481 = tpu.vector_load %arg6[%get3A_478, %get3A_479, %get3A_480] {strides = array<i32>} : memref<4x128x128xf32, #tpu.memory_space<vmem>>, vector<1x1x16xf32>,
      %get3A_482 = vector.shape_cast %get3A_481 : vector<1x1x16xf32> to vector<16xf32>
      %swap3A_483 = arith.index_cast %scan3A_412 : i32 to index
      %swap3A_484 = arith.constant 96 : index
      %swap3A_485 = tpu.vector_load %arg7[%swap3A_483, %swap3A_484] {strides = array<i32>} : memref<128x128xf32, #tpu.memory_space<vmem>>, vector<1x16xf32>,
      %swap3A_486 = vector.shape_cast %swap3A_485 : vector<1x16xf32> to vector<16xf32>
      %swap3A_487 = vector.shape_cast %get3A_482 : vector<16xf32> to vector<1x16xf32>
      tpu.vector_store %arg7[%swap3A_483, %swap3A_484], %swap3A_487 {strides = array<i32>} : memref<128x128xf32, #tpu.memory_space<vmem>>, vector<1x16xf32>,
      %get3A_488 = arith.constant 3 : i32
      %get3A_489 = arith.index_cast %get3A_488 : i32 to index
      %get3A_490 = arith.index_cast %scan3A_412 : i32 to index
      %get3A_491 = arith.constant 112 : index
      %get3A_492 = tpu.vector_load %arg6[%get3A_489, %get3A_490, %get3A_491] {strides = array<i32>} : memref<4x128x128xf32, #tpu.memory_space<vmem>>, vector<1x1x16xf32>,
      %get3A_493 = vector.shape_cast %get3A_492 : vector<1x1x16xf32> to vector<16xf32>
      %swap3A_494 = arith.index_cast %scan3A_412 : i32 to index
      %swap3A_495 = arith.constant 112 : index
      %swap3A_496 = tpu.vector_load %arg7[%swap3A_494, %swap3A_495] {strides = array<i32>} : memref<128x128xf32, #tpu.memory_space<vmem>>, vector<1x16xf32>,
      %swap3A_497 = vector.shape_cast %swap3A_496 : vector<1x16xf32> to vector<16xf32>
      %swap3A_498 = vector.shape_cast %get3A_493 : vector<16xf32> to vector<1x16xf32>
      tpu.vector_store %arg7[%swap3A_494, %swap3A_495], %swap3A_498 {strides = array<i32>} : memref<128x128xf32, #tpu.memory_space<vmem>>, vector<1x16xf32>,
    }
    %scan3A_205 = arith.constant 128 : i32
    "tpu.region"() ({
      %run_scoped3A = tpu.sem_alloc : memref<!tpu.dma_semaphore, #tpu.memory_space<semaphore_mem>>
      %dma_start3A_412 = arith.constant 0 : i32
      %dma_start3A_413 = tpu.memref_slice %arg4[%add3A_104, %dma_start3A_412] : memref<16384x128xf32, #tpu.memory_space<hbm>> -> memref<128x128xf32, #tpu.memory_space<hbm>>
      %dma_start3A_414 = arith.constant 0 : i32
      %dma_start3A_415 = tpu.memref_slice %arg4[%add3A_104, %dma_start3A_414] : memref<16384x128xf32, #tpu.memory_space<hbm>> -> memref<128x128xf32, #tpu.memory_space<hbm>>
      tpu.enqueue_dma source(%arg7 : memref<128x128xf32, #tpu.memory_space<vmem>>) target(%dma_start3A_415 : memref<128x128xf32, #tpu.memory_space<hbm>>) target_semaphore(%run_scoped3A : memref<!tpu.dma_semaphore, #tpu.memory_space<semaphore_mem>>)
      %dma_wait3A_416 = arith.constant 0 : i32
      %dma_wait3A_417 = tpu.memref_slice %arg4[%add3A_104, %dma_wait3A_416] : memref<16384x128xf32, #tpu.memory_space<hbm>> -> memref<128x128xf32, #tpu.memory_space<hbm>>
      %dma_wait3A_418 = arith.constant 0 : i32
      %dma_wait3A_419 = tpu.memref_slice %arg4[%add3A_104, %dma_wait3A_418] : memref<16384x128xf32, #tpu.memory_space<hbm>> -> memref<128x128xf32, #tpu.memory_space<hbm>>
      tpu.wait_dma2 semaphore(%run_scoped3A : memref<!tpu.dma_semaphore, #tpu.memory_space<semaphore_mem>>) src(%arg7 : memref<128x128xf32, #tpu.memory_space<vmem>>) dst(%dma_wait3A_419 : memref<128x128xf32, #tpu.memory_space<hbm>>)
      tpu.yield
    }) : () -> ()
    %add3A_206 = arith.constant 256 : i32
    %add3A_207 = arith.addi %mul3A_2, %add3A_206 : i32
    "tpu.region"() ({
      %run_scoped3A = tpu.sem_alloc : memref<!tpu.dma_semaphore, #tpu.memory_space<semaphore_mem>>
      %dma_start3A_412 = arith.constant 0 : i32
      %dma_start3A_413 = tpu.memref_slice %arg2[%dma_start3A_412, %add3A_207] : memref<4x16384xi32, #tpu.memory_space<hbm>> -> memref<4x128xi32, #tpu.memory_space<hbm>>
      %dma_start3A_414 = arith.constant 0 : i32
      %dma_start3A_415 = tpu.memref_slice %arg2[%dma_start3A_414, %add3A_207] : memref<4x16384xi32, #tpu.memory_space<hbm>> -> memref<4x128xi32, #tpu.memory_space<hbm>>
      tpu.enqueue_dma source(%dma_start3A_415 : memref<4x128xi32, #tpu.memory_space<hbm>>) target(%arg5 : memref<4x128xi32, #tpu.memory_space<vmem>>) target_semaphore(%run_scoped3A : memref<!tpu.dma_semaphore, #tpu.memory_space<semaphore_mem>>)
      %dma_wait3A_416 = arith.constant 0 : i32
      %dma_wait3A_417 = tpu.memref_slice %arg2[%dma_wait3A_416, %add3A_207] : memref<4x16384xi32, #tpu.memory_space<hbm>> -> memref<4x128xi32, #tpu.memory_space<hbm>>
      %dma_wait3A_418 = arith.constant 0 : i32
      %dma_wait3A_419 = tpu.memref_slice %arg2[%dma_wait3A_418, %add3A_207] : memref<4x16384xi32, #tpu.memory_space<hbm>> -> memref<4x128xi32, #tpu.memory_space<hbm>>
      tpu.wait_dma2 semaphore(%run_scoped3A : memref<!tpu.dma_semaphore, #tpu.memory_space<semaphore_mem>>) src(%dma_wait3A_419 : memref<4x128xi32, #tpu.memory_space<hbm>>) dst(%arg5 : memref<4x128xi32, #tpu.memory_space<vmem>>)
      tpu.yield
    }) : () -> ()
    %dma_start3A_208 = arith.constant 0 : i32
    %dma_start3A_209 = arith.constant 0 : i32
    %dma_start3A_210 = arith.constant 0 : i32
    %dma_start3A_211 = arith.constant 0 : i32
    %dma_start3A_212 = tpu.memref_slice %arg6[%dma_start3A_209, %dma_start3A_210, %dma_start3A_211] : memref<4x128x128xf32, #tpu.memory_space<vmem>> -> memref<1x128x128xf32, #tpu.memory_space<vmem>>
    %dma_start3A_213 = tpu.memref_squeeze %dma_start3A_212 : memref<1x128x128xf32, #tpu.memory_space<vmem>> -> memref<128x128xf32, #tpu.memory_space<vmem>>
    %dma_start3A_214 = arith.constant 0 : i32
    %dma_start3A_215 = tpu.memref_slice %arg5[%dma_start3A_208, %dma_start3A_214] : memref<4x128xi32, #tpu.memory_space<vmem>> -> memref<1x128xi32, #tpu.memory_space<vmem>>
    %dma_start3A_216 = tpu.memref_squeeze %dma_start3A_215 : memref<1x128xi32, #tpu.memory_space<vmem>> -> memref<128xi32, #tpu.memory_space<vmem>>
    %dma_start3A_217 = arith.constant 0 : i32
    %dma_start3A_218 = arith.constant 0 : i32
    %dma_start3A_219 = tpu.memref_slice %arg3[%dma_start3A_217, %dma_start3A_218] : memref<100000x128xf32, #tpu.memory_space<hbm>> -> memref<100000x128xf32, #tpu.memory_space<hbm>>
    tpu.enqueue_indirect_dma source(%dma_start3A_219 : memref<100000x128xf32, #tpu.memory_space<hbm>>) target(%dma_start3A_213 : memref<128x128xf32, #tpu.memory_space<vmem>>) offsets(%dma_start3A_216 : memref<128xi32, #tpu.memory_space<vmem>>) semaphore(%arg8 : memref<!tpu.dma_semaphore, #tpu.memory_space<semaphore_mem>>)
    %dma_start3A_220 = arith.constant 1 : i32
    %dma_start3A_221 = arith.constant 1 : i32
    %dma_start3A_222 = arith.constant 0 : i32
    %dma_start3A_223 = arith.constant 0 : i32
    %dma_start3A_224 = tpu.memref_slice %arg6[%dma_start3A_221, %dma_start3A_222, %dma_start3A_223] : memref<4x128x128xf32, #tpu.memory_space<vmem>> -> memref<1x128x128xf32, #tpu.memory_space<vmem>>
    %dma_start3A_225 = tpu.memref_squeeze %dma_start3A_224 : memref<1x128x128xf32, #tpu.memory_space<vmem>> -> memref<128x128xf32, #tpu.memory_space<vmem>>
    %dma_start3A_226 = arith.constant 0 : i32
    %dma_start3A_227 = tpu.memref_slice %arg5[%dma_start3A_220, %dma_start3A_226] : memref<4x128xi32, #tpu.memory_space<vmem>> -> memref<1x128xi32, #tpu.memory_space<vmem>>
    %dma_start3A_228 = tpu.memref_squeeze %dma_start3A_227 : memref<1x128xi32, #tpu.memory_space<vmem>> -> memref<128xi32, #tpu.memory_space<vmem>>
    %dma_start3A_229 = arith.constant 0 : i32
    %dma_start3A_230 = arith.constant 0 : i32
    %dma_start3A_231 = tpu.memref_slice %arg3[%dma_start3A_229, %dma_start3A_230] : memref<100000x128xf32, #tpu.memory_space<hbm>> -> memref<100000x128xf32, #tpu.memory_space<hbm>>
    tpu.enqueue_indirect_dma source(%dma_start3A_231 : memref<100000x128xf32, #tpu.memory_space<hbm>>) target(%dma_start3A_225 : memref<128x128xf32, #tpu.memory_space<vmem>>) offsets(%dma_start3A_228 : memref<128xi32, #tpu.memory_space<vmem>>) semaphore(%arg8 : memref<!tpu.dma_semaphore, #tpu.memory_space<semaphore_mem>>)
    %dma_start3A_232 = arith.constant 2 : i32
    %dma_start3A_233 = arith.constant 2 : i32
    %dma_start3A_234 = arith.constant 0 : i32
    %dma_start3A_235 = arith.constant 0 : i32
    %dma_start3A_236 = tpu.memref_slice %arg6[%dma_start3A_233, %dma_start3A_234, %dma_start3A_235] : memref<4x128x128xf32, #tpu.memory_space<vmem>> -> memref<1x128x128xf32, #tpu.memory_space<vmem>>
    %dma_start3A_237 = tpu.memref_squeeze %dma_start3A_236 : memref<1x128x128xf32, #tpu.memory_space<vmem>> -> memref<128x128xf32, #tpu.memory_space<vmem>>
    %dma_start3A_238 = arith.constant 0 : i32
    %dma_start3A_239 = tpu.memref_slice %arg5[%dma_start3A_232, %dma_start3A_238] : memref<4x128xi32, #tpu.memory_space<vmem>> -> memref<1x128xi32, #tpu.memory_space<vmem>>
    %dma_start3A_240 = tpu.memref_squeeze %dma_start3A_239 : memref<1x128xi32, #tpu.memory_space<vmem>> -> memref<128xi32, #tpu.memory_space<vmem>>
    %dma_start3A_241 = arith.constant 0 : i32
    %dma_start3A_242 = arith.constant 0 : i32
    %dma_start3A_243 = tpu.memref_slice %arg3[%dma_start3A_241, %dma_start3A_242] : memref<100000x128xf32, #tpu.memory_space<hbm>> -> memref<100000x128xf32, #tpu.memory_space<hbm>>
    tpu.enqueue_indirect_dma source(%dma_start3A_243 : memref<100000x128xf32, #tpu.memory_space<hbm>>) target(%dma_start3A_237 : memref<128x128xf32, #tpu.memory_space<vmem>>) offsets(%dma_start3A_240 : memref<128xi32, #tpu.memory_space<vmem>>) semaphore(%arg8 : memref<!tpu.dma_semaphore, #tpu.memory_space<semaphore_mem>>)
    %dma_start3A_244 = arith.constant 3 : i32
    %dma_start3A_245 = arith.constant 3 : i32
    %dma_start3A_246 = arith.constant 0 : i32
    %dma_start3A_247 = arith.constant 0 : i32
    %dma_start3A_248 = tpu.memref_slice %arg6[%dma_start3A_245, %dma_start3A_246, %dma_start3A_247] : memref<4x128x128xf32, #tpu.memory_space<vmem>> -> memref<1x128x128xf32, #tpu.memory_space<vmem>>
    %dma_start3A_249 = tpu.memref_squeeze %dma_start3A_248 : memref<1x128x128xf32, #tpu.memory_space<vmem>> -> memref<128x128xf32, #tpu.memory_space<vmem>>
    %dma_start3A_250 = arith.constant 0 : i32
    %dma_start3A_251 = tpu.memref_slice %arg5[%dma_start3A_244, %dma_start3A_250] : memref<4x128xi32, #tpu.memory_space<vmem>> -> memref<1x128xi32, #tpu.memory_space<vmem>>
    %dma_start3A_252 = tpu.memref_squeeze %dma_start3A_251 : memref<1x128xi32, #tpu.memory_space<vmem>> -> memref<128xi32, #tpu.memory_space<vmem>>
    %dma_start3A_253 = arith.constant 0 : i32
    %dma_start3A_254 = arith.constant 0 : i32
    %dma_start3A_255 = tpu.memref_slice %arg3[%dma_start3A_253, %dma_start3A_254] : memref<100000x128xf32, #tpu.memory_space<hbm>> -> memref<100000x128xf32, #tpu.memory_space<hbm>>
    tpu.enqueue_indirect_dma source(%dma_start3A_255 : memref<100000x128xf32, #tpu.memory_space<hbm>>) target(%dma_start3A_249 : memref<128x128xf32, #tpu.memory_space<vmem>>) offsets(%dma_start3A_252 : memref<128xi32, #tpu.memory_space<vmem>>) semaphore(%arg8 : memref<!tpu.dma_semaphore, #tpu.memory_space<semaphore_mem>>)
    %dma_wait3A_256 = arith.constant 0 : i32
    %dma_wait3A_257 = arith.constant 0 : i32
    %dma_wait3A_258 = arith.constant 0 : i32
    %dma_wait3A_259 = arith.constant 0 : i32
    %dma_wait3A_260 = tpu.memref_slice %arg6[%dma_wait3A_257, %dma_wait3A_258, %dma_wait3A_259] : memref<4x128x128xf32, #tpu.memory_space<vmem>> -> memref<1x128x128xf32, #tpu.memory_space<vmem>>
    %dma_wait3A_261 = tpu.memref_squeeze %dma_wait3A_260 : memref<1x128x128xf32, #tpu.memory_space<vmem>> -> memref<128x128xf32, #tpu.memory_space<vmem>>
    %dma_wait3A_262 = arith.constant 0 : i32
    %dma_wait3A_263 = tpu.memref_slice %arg5[%dma_wait3A_256, %dma_wait3A_262] : memref<4x128xi32, #tpu.memory_space<vmem>> -> memref<1x128xi32, #tpu.memory_space<vmem>>
    %dma_wait3A_264 = tpu.memref_squeeze %dma_wait3A_263 : memref<1x128xi32, #tpu.memory_space<vmem>> -> memref<128xi32, #tpu.memory_space<vmem>>
    %dma_wait3A_265 = arith.constant 0 : i32
    %dma_wait3A_266 = arith.constant 0 : i32
    %dma_wait3A_267 = tpu.memref_slice %arg3[%dma_wait3A_265, %dma_wait3A_266] : memref<100000x128xf32, #tpu.memory_space<hbm>> -> memref<100000x128xf32, #tpu.memory_space<hbm>>
    tpu.wait_indirect_dma semaphore(%arg8 : memref<!tpu.dma_semaphore, #tpu.memory_space<semaphore_mem>>) src(%dma_wait3A_267 : memref<100000x128xf32, #tpu.memory_space<hbm>>) dst(%dma_wait3A_261 : memref<128x128xf32, #tpu.memory_space<vmem>>)
    %dma_wait3A_268 = arith.constant 1 : i32
    %dma_wait3A_269 = arith.constant 1 : i32
    %dma_wait3A_270 = arith.constant 0 : i32
    %dma_wait3A_271 = arith.constant 0 : i32
    %dma_wait3A_272 = tpu.memref_slice %arg6[%dma_wait3A_269, %dma_wait3A_270, %dma_wait3A_271] : memref<4x128x128xf32, #tpu.memory_space<vmem>> -> memref<1x128x128xf32, #tpu.memory_space<vmem>>
    %dma_wait3A_273 = tpu.memref_squeeze %dma_wait3A_272 : memref<1x128x128xf32, #tpu.memory_space<vmem>> -> memref<128x128xf32, #tpu.memory_space<vmem>>
    %dma_wait3A_274 = arith.constant 0 : i32
    %dma_wait3A_275 = tpu.memref_slice %arg5[%dma_wait3A_268, %dma_wait3A_274] : memref<4x128xi32, #tpu.memory_space<vmem>> -> memref<1x128xi32, #tpu.memory_space<vmem>>
    %dma_wait3A_276 = tpu.memref_squeeze %dma_wait3A_275 : memref<1x128xi32, #tpu.memory_space<vmem>> -> memref<128xi32, #tpu.memory_space<vmem>>
    %dma_wait3A_277 = arith.constant 0 : i32
    %dma_wait3A_278 = arith.constant 0 : i32
    %dma_wait3A_279 = tpu.memref_slice %arg3[%dma_wait3A_277, %dma_wait3A_278] : memref<100000x128xf32, #tpu.memory_space<hbm>> -> memref<100000x128xf32, #tpu.memory_space<hbm>>
    tpu.wait_indirect_dma semaphore(%arg8 : memref<!tpu.dma_semaphore, #tpu.memory_space<semaphore_mem>>) src(%dma_wait3A_279 : memref<100000x128xf32, #tpu.memory_space<hbm>>) dst(%dma_wait3A_273 : memref<128x128xf32, #tpu.memory_space<vmem>>)
    %dma_wait3A_280 = arith.constant 2 : i32
    %dma_wait3A_281 = arith.constant 2 : i32
    %dma_wait3A_282 = arith.constant 0 : i32
    %dma_wait3A_283 = arith.constant 0 : i32
    %dma_wait3A_284 = tpu.memref_slice %arg6[%dma_wait3A_281, %dma_wait3A_282, %dma_wait3A_283] : memref<4x128x128xf32, #tpu.memory_space<vmem>> -> memref<1x128x128xf32, #tpu.memory_space<vmem>>
    %dma_wait3A_285 = tpu.memref_squeeze %dma_wait3A_284 : memref<1x128x128xf32, #tpu.memory_space<vmem>> -> memref<128x128xf32, #tpu.memory_space<vmem>>
    %dma_wait3A_286 = arith.constant 0 : i32
    %dma_wait3A_287 = tpu.memref_slice %arg5[%dma_wait3A_280, %dma_wait3A_286] : memref<4x128xi32, #tpu.memory_space<vmem>> -> memref<1x128xi32, #tpu.memory_space<vmem>>
    %dma_wait3A_288 = tpu.memref_squeeze %dma_wait3A_287 : memref<1x128xi32, #tpu.memory_space<vmem>> -> memref<128xi32, #tpu.memory_space<vmem>>
    %dma_wait3A_289 = arith.constant 0 : i32
    %dma_wait3A_290 = arith.constant 0 : i32
    %dma_wait3A_291 = tpu.memref_slice %arg3[%dma_wait3A_289, %dma_wait3A_290] : memref<100000x128xf32, #tpu.memory_space<hbm>> -> memref<100000x128xf32, #tpu.memory_space<hbm>>
    tpu.wait_indirect_dma semaphore(%arg8 : memref<!tpu.dma_semaphore, #tpu.memory_space<semaphore_mem>>) src(%dma_wait3A_291 : memref<100000x128xf32, #tpu.memory_space<hbm>>) dst(%dma_wait3A_285 : memref<128x128xf32, #tpu.memory_space<vmem>>)
    %dma_wait3A_292 = arith.constant 3 : i32
    %dma_wait3A_293 = arith.constant 3 : i32
    %dma_wait3A_294 = arith.constant 0 : i32
    %dma_wait3A_295 = arith.constant 0 : i32
    %dma_wait3A_296 = tpu.memref_slice %arg6[%dma_wait3A_293, %dma_wait3A_294, %dma_wait3A_295] : memref<4x128x128xf32, #tpu.memory_space<vmem>> -> memref<1x128x128xf32, #tpu.memory_space<vmem>>
    %dma_wait3A_297 = tpu.memref_squeeze %dma_wait3A_296 : memref<1x128x128xf32, #tpu.memory_space<vmem>> -> memref<128x128xf32, #tpu.memory_space<vmem>>
    %dma_wait3A_298 = arith.constant 0 : i32
    %dma_wait3A_299 = tpu.memref_slice %arg5[%dma_wait3A_292, %dma_wait3A_298] : memref<4x128xi32, #tpu.memory_space<vmem>> -> memref<1x128xi32, #tpu.memory_space<vmem>>
    %dma_wait3A_300 = tpu.memref_squeeze %dma_wait3A_299 : memref<1x128xi32, #tpu.memory_space<vmem>> -> memref<128xi32, #tpu.memory_space<vmem>>
    %dma_wait3A_301 = arith.constant 0 : i32
    %dma_wait3A_302 = arith.constant 0 : i32
    %dma_wait3A_303 = tpu.memref_slice %arg3[%dma_wait3A_301, %dma_wait3A_302] : memref<100000x128xf32, #tpu.memory_space<hbm>> -> memref<100000x128xf32, #tpu.memory_space<hbm>>
    tpu.wait_indirect_dma semaphore(%arg8 : memref<!tpu.dma_semaphore, #tpu.memory_space<semaphore_mem>>) src(%dma_wait3A_303 : memref<100000x128xf32, #tpu.memory_space<hbm>>) dst(%dma_wait3A_297 : memref<128x128xf32, #tpu.memory_space<vmem>>)
    %scan3A_304 = arith.constant 0 : i32
    %scan3A_305 = arith.constant 128 : i32
    %scan3A_306 = arith.addi %scan3A_304, %scan3A_305 : i32
    %scan3A_307 = arith.constant 1 : i32
    scf.for %scan3A_412 = %scan3A_304 to %scan3A_306 step %scan3A_307  : i32 {
      %get3A = arith.constant 0 : i32
      %get3A_413 = arith.index_cast %get3A : i32 to index
      %get3A_414 = arith.index_cast %scan3A_412 : i32 to index
      %get3A_415 = arith.constant 0 : index
      %get3A_416 = tpu.vector_load %arg6[%get3A_413, %get3A_414, %get3A_415] {strides = array<i32>} : memref<4x128x128xf32, #tpu.memory_space<vmem>>, vector<1x1x16xf32>,
      %get3A_417 = vector.shape_cast %get3A_416 : vector<1x1x16xf32> to vector<16xf32>
      %swap3A = arith.index_cast %scan3A_412 : i32 to index
      %swap3A_418 = arith.constant 0 : index
      %swap3A_419 = tpu.vector_load %arg7[%swap3A, %swap3A_418] {strides = array<i32>} : memref<128x128xf32, #tpu.memory_space<vmem>>, vector<1x16xf32>,
      %swap3A_420 = vector.shape_cast %swap3A_419 : vector<1x16xf32> to vector<16xf32>
      %swap3A_421 = vector.shape_cast %get3A_417 : vector<16xf32> to vector<1x16xf32>
      tpu.vector_store %arg7[%swap3A, %swap3A_418], %swap3A_421 {strides = array<i32>} : memref<128x128xf32, #tpu.memory_space<vmem>>, vector<1x16xf32>,
      %get3A_422 = arith.constant 0 : i32
      %get3A_423 = arith.index_cast %get3A_422 : i32 to index
      %get3A_424 = arith.index_cast %scan3A_412 : i32 to index
      %get3A_425 = arith.constant 16 : index
      %get3A_426 = tpu.vector_load %arg6[%get3A_423, %get3A_424, %get3A_425] {strides = array<i32>} : memref<4x128x128xf32, #tpu.memory_space<vmem>>, vector<1x1x16xf32>,
      %get3A_427 = vector.shape_cast %get3A_426 : vector<1x1x16xf32> to vector<16xf32>
      %swap3A_428 = arith.index_cast %scan3A_412 : i32 to index
      %swap3A_429 = arith.constant 16 : index
      %swap3A_430 = tpu.vector_load %arg7[%swap3A_428, %swap3A_429] {strides = array<i32>} : memref<128x128xf32, #tpu.memory_space<vmem>>, vector<1x16xf32>,
      %swap3A_431 = vector.shape_cast %swap3A_430 : vector<1x16xf32> to vector<16xf32>
      %swap3A_432 = vector.shape_cast %get3A_427 : vector<16xf32> to vector<1x16xf32>
      tpu.vector_store %arg7[%swap3A_428, %swap3A_429], %swap3A_432 {strides = array<i32>} : memref<128x128xf32, #tpu.memory_space<vmem>>, vector<1x16xf32>,
      %get3A_433 = arith.constant 1 : i32
      %get3A_434 = arith.index_cast %get3A_433 : i32 to index
      %get3A_435 = arith.index_cast %scan3A_412 : i32 to index
      %get3A_436 = arith.constant 32 : index
      %get3A_437 = tpu.vector_load %arg6[%get3A_434, %get3A_435, %get3A_436] {strides = array<i32>} : memref<4x128x128xf32, #tpu.memory_space<vmem>>, vector<1x1x16xf32>,
      %get3A_438 = vector.shape_cast %get3A_437 : vector<1x1x16xf32> to vector<16xf32>
      %swap3A_439 = arith.index_cast %scan3A_412 : i32 to index
      %swap3A_440 = arith.constant 32 : index
      %swap3A_441 = tpu.vector_load %arg7[%swap3A_439, %swap3A_440] {strides = array<i32>} : memref<128x128xf32, #tpu.memory_space<vmem>>, vector<1x16xf32>,
      %swap3A_442 = vector.shape_cast %swap3A_441 : vector<1x16xf32> to vector<16xf32>
      %swap3A_443 = vector.shape_cast %get3A_438 : vector<16xf32> to vector<1x16xf32>
      tpu.vector_store %arg7[%swap3A_439, %swap3A_440], %swap3A_443 {strides = array<i32>} : memref<128x128xf32, #tpu.memory_space<vmem>>, vector<1x16xf32>,
      %get3A_444 = arith.constant 1 : i32
      %get3A_445 = arith.index_cast %get3A_444 : i32 to index
      %get3A_446 = arith.index_cast %scan3A_412 : i32 to index
      %get3A_447 = arith.constant 48 : index
      %get3A_448 = tpu.vector_load %arg6[%get3A_445, %get3A_446, %get3A_447] {strides = array<i32>} : memref<4x128x128xf32, #tpu.memory_space<vmem>>, vector<1x1x16xf32>,
      %get3A_449 = vector.shape_cast %get3A_448 : vector<1x1x16xf32> to vector<16xf32>
      %swap3A_450 = arith.index_cast %scan3A_412 : i32 to index
      %swap3A_451 = arith.constant 48 : index
      %swap3A_452 = tpu.vector_load %arg7[%swap3A_450, %swap3A_451] {strides = array<i32>} : memref<128x128xf32, #tpu.memory_space<vmem>>, vector<1x16xf32>,
      %swap3A_453 = vector.shape_cast %swap3A_452 : vector<1x16xf32> to vector<16xf32>
      %swap3A_454 = vector.shape_cast %get3A_449 : vector<16xf32> to vector<1x16xf32>
      tpu.vector_store %arg7[%swap3A_450, %swap3A_451], %swap3A_454 {strides = array<i32>} : memref<128x128xf32, #tpu.memory_space<vmem>>, vector<1x16xf32>,
      %get3A_455 = arith.constant 2 : i32
      %get3A_456 = arith.index_cast %get3A_455 : i32 to index
      %get3A_457 = arith.index_cast %scan3A_412 : i32 to index
      %get3A_458 = arith.constant 64 : index
      %get3A_459 = tpu.vector_load %arg6[%get3A_456, %get3A_457, %get3A_458] {strides = array<i32>} : memref<4x128x128xf32, #tpu.memory_space<vmem>>, vector<1x1x16xf32>,
      %get3A_460 = vector.shape_cast %get3A_459 : vector<1x1x16xf32> to vector<16xf32>
      %swap3A_461 = arith.index_cast %scan3A_412 : i32 to index
      %swap3A_462 = arith.constant 64 : index
      %swap3A_463 = tpu.vector_load %arg7[%swap3A_461, %swap3A_462] {strides = array<i32>} : memref<128x128xf32, #tpu.memory_space<vmem>>, vector<1x16xf32>,
      %swap3A_464 = vector.shape_cast %swap3A_463 : vector<1x16xf32> to vector<16xf32>
      %swap3A_465 = vector.shape_cast %get3A_460 : vector<16xf32> to vector<1x16xf32>
      tpu.vector_store %arg7[%swap3A_461, %swap3A_462], %swap3A_465 {strides = array<i32>} : memref<128x128xf32, #tpu.memory_space<vmem>>, vector<1x16xf32>,
      %get3A_466 = arith.constant 2 : i32
      %get3A_467 = arith.index_cast %get3A_466 : i32 to index
      %get3A_468 = arith.index_cast %scan3A_412 : i32 to index
      %get3A_469 = arith.constant 80 : index
      %get3A_470 = tpu.vector_load %arg6[%get3A_467, %get3A_468, %get3A_469] {strides = array<i32>} : memref<4x128x128xf32, #tpu.memory_space<vmem>>, vector<1x1x16xf32>,
      %get3A_471 = vector.shape_cast %get3A_470 : vector<1x1x16xf32> to vector<16xf32>
      %swap3A_472 = arith.index_cast %scan3A_412 : i32 to index
      %swap3A_473 = arith.constant 80 : index
      %swap3A_474 = tpu.vector_load %arg7[%swap3A_472, %swap3A_473] {strides = array<i32>} : memref<128x128xf32, #tpu.memory_space<vmem>>, vector<1x16xf32>,
      %swap3A_475 = vector.shape_cast %swap3A_474 : vector<1x16xf32> to vector<16xf32>
      %swap3A_476 = vector.shape_cast %get3A_471 : vector<16xf32> to vector<1x16xf32>
      tpu.vector_store %arg7[%swap3A_472, %swap3A_473], %swap3A_476 {strides = array<i32>} : memref<128x128xf32, #tpu.memory_space<vmem>>, vector<1x16xf32>,
      %get3A_477 = arith.constant 3 : i32
      %get3A_478 = arith.index_cast %get3A_477 : i32 to index
      %get3A_479 = arith.index_cast %scan3A_412 : i32 to index
      %get3A_480 = arith.constant 96 : index
      %get3A_481 = tpu.vector_load %arg6[%get3A_478, %get3A_479, %get3A_480] {strides = array<i32>} : memref<4x128x128xf32, #tpu.memory_space<vmem>>, vector<1x1x16xf32>,
      %get3A_482 = vector.shape_cast %get3A_481 : vector<1x1x16xf32> to vector<16xf32>
      %swap3A_483 = arith.index_cast %scan3A_412 : i32 to index
      %swap3A_484 = arith.constant 96 : index
      %swap3A_485 = tpu.vector_load %arg7[%swap3A_483, %swap3A_484] {strides = array<i32>} : memref<128x128xf32, #tpu.memory_space<vmem>>, vector<1x16xf32>,
      %swap3A_486 = vector.shape_cast %swap3A_485 : vector<1x16xf32> to vector<16xf32>
      %swap3A_487 = vector.shape_cast %get3A_482 : vector<16xf32> to vector<1x16xf32>
      tpu.vector_store %arg7[%swap3A_483, %swap3A_484], %swap3A_487 {strides = array<i32>} : memref<128x128xf32, #tpu.memory_space<vmem>>, vector<1x16xf32>,
      %get3A_488 = arith.constant 3 : i32
      %get3A_489 = arith.index_cast %get3A_488 : i32 to index
      %get3A_490 = arith.index_cast %scan3A_412 : i32 to index
      %get3A_491 = arith.constant 112 : index
      %get3A_492 = tpu.vector_load %arg6[%get3A_489, %get3A_490, %get3A_491] {strides = array<i32>} : memref<4x128x128xf32, #tpu.memory_space<vmem>>, vector<1x1x16xf32>,
      %get3A_493 = vector.shape_cast %get3A_492 : vector<1x1x16xf32> to vector<16xf32>
      %swap3A_494 = arith.index_cast %scan3A_412 : i32 to index
      %swap3A_495 = arith.constant 112 : index
      %swap3A_496 = tpu.vector_load %arg7[%swap3A_494, %swap3A_495] {strides = array<i32>} : memref<128x128xf32, #tpu.memory_space<vmem>>, vector<1x16xf32>,
      %swap3A_497 = vector.shape_cast %swap3A_496 : vector<1x16xf32> to vector<16xf32>
      %swap3A_498 = vector.shape_cast %get3A_493 : vector<16xf32> to vector<1x16xf32>
      tpu.vector_store %arg7[%swap3A_494, %swap3A_495], %swap3A_498 {strides = array<i32>} : memref<128x128xf32, #tpu.memory_space<vmem>>, vector<1x16xf32>,
    }
    %scan3A_308 = arith.constant 128 : i32
    "tpu.region"() ({
      %run_scoped3A = tpu.sem_alloc : memref<!tpu.dma_semaphore, #tpu.memory_space<semaphore_mem>>
      %dma_start3A_412 = arith.constant 0 : i32
      %dma_start3A_413 = tpu.memref_slice %arg4[%add3A_207, %dma_start3A_412] : memref<16384x128xf32, #tpu.memory_space<hbm>> -> memref<128x128xf32, #tpu.memory_space<hbm>>
      %dma_start3A_414 = arith.constant 0 : i32
      %dma_start3A_415 = tpu.memref_slice %arg4[%add3A_207, %dma_start3A_414] : memref<16384x128xf32, #tpu.memory_space<hbm>> -> memref<128x128xf32, #tpu.memory_space<hbm>>
      tpu.enqueue_dma source(%arg7 : memref<128x128xf32, #tpu.memory_space<vmem>>) target(%dma_start3A_415 : memref<128x128xf32, #tpu.memory_space<hbm>>) target_semaphore(%run_scoped3A : memref<!tpu.dma_semaphore, #tpu.memory_space<semaphore_mem>>)
      %dma_wait3A_416 = arith.constant 0 : i32
      %dma_wait3A_417 = tpu.memref_slice %arg4[%add3A_207, %dma_wait3A_416] : memref<16384x128xf32, #tpu.memory_space<hbm>> -> memref<128x128xf32, #tpu.memory_space<hbm>>
      %dma_wait3A_418 = arith.constant 0 : i32
      %dma_wait3A_419 = tpu.memref_slice %arg4[%add3A_207, %dma_wait3A_418] : memref<16384x128xf32, #tpu.memory_space<hbm>> -> memref<128x128xf32, #tpu.memory_space<hbm>>
      tpu.wait_dma2 semaphore(%run_scoped3A : memref<!tpu.dma_semaphore, #tpu.memory_space<semaphore_mem>>) src(%arg7 : memref<128x128xf32, #tpu.memory_space<vmem>>) dst(%dma_wait3A_419 : memref<128x128xf32, #tpu.memory_space<hbm>>)
      tpu.yield
    }) : () -> ()
    %add3A_309 = arith.constant 384 : i32
    %add3A_310 = arith.addi %mul3A_2, %add3A_309 : i32
    "tpu.region"() ({
      %run_scoped3A = tpu.sem_alloc : memref<!tpu.dma_semaphore, #tpu.memory_space<semaphore_mem>>
      %dma_start3A_412 = arith.constant 0 : i32
      %dma_start3A_413 = tpu.memref_slice %arg2[%dma_start3A_412, %add3A_310] : memref<4x16384xi32, #tpu.memory_space<hbm>> -> memref<4x128xi32, #tpu.memory_space<hbm>>
      %dma_start3A_414 = arith.constant 0 : i32
      %dma_start3A_415 = tpu.memref_slice %arg2[%dma_start3A_414, %add3A_310] : memref<4x16384xi32, #tpu.memory_space<hbm>> -> memref<4x128xi32, #tpu.memory_space<hbm>>
      tpu.enqueue_dma source(%dma_start3A_415 : memref<4x128xi32, #tpu.memory_space<hbm>>) target(%arg5 : memref<4x128xi32, #tpu.memory_space<vmem>>) target_semaphore(%run_scoped3A : memref<!tpu.dma_semaphore, #tpu.memory_space<semaphore_mem>>)
      %dma_wait3A_416 = arith.constant 0 : i32
      %dma_wait3A_417 = tpu.memref_slice %arg2[%dma_wait3A_416, %add3A_310] : memref<4x16384xi32, #tpu.memory_space<hbm>> -> memref<4x128xi32, #tpu.memory_space<hbm>>
      %dma_wait3A_418 = arith.constant 0 : i32
      %dma_wait3A_419 = tpu.memref_slice %arg2[%dma_wait3A_418, %add3A_310] : memref<4x16384xi32, #tpu.memory_space<hbm>> -> memref<4x128xi32, #tpu.memory_space<hbm>>
      tpu.wait_dma2 semaphore(%run_scoped3A : memref<!tpu.dma_semaphore, #tpu.memory_space<semaphore_mem>>) src(%dma_wait3A_419 : memref<4x128xi32, #tpu.memory_space<hbm>>) dst(%arg5 : memref<4x128xi32, #tpu.memory_space<vmem>>)
      tpu.yield
    }) : () -> ()
    %dma_start3A_311 = arith.constant 0 : i32
    %dma_start3A_312 = arith.constant 0 : i32
    %dma_start3A_313 = arith.constant 0 : i32
    %dma_start3A_314 = arith.constant 0 : i32
    %dma_start3A_315 = tpu.memref_slice %arg6[%dma_start3A_312, %dma_start3A_313, %dma_start3A_314] : memref<4x128x128xf32, #tpu.memory_space<vmem>> -> memref<1x128x128xf32, #tpu.memory_space<vmem>>
    %dma_start3A_316 = tpu.memref_squeeze %dma_start3A_315 : memref<1x128x128xf32, #tpu.memory_space<vmem>> -> memref<128x128xf32, #tpu.memory_space<vmem>>
    %dma_start3A_317 = arith.constant 0 : i32
    %dma_start3A_318 = tpu.memref_slice %arg5[%dma_start3A_311, %dma_start3A_317] : memref<4x128xi32, #tpu.memory_space<vmem>> -> memref<1x128xi32, #tpu.memory_space<vmem>>
    %dma_start3A_319 = tpu.memref_squeeze %dma_start3A_318 : memref<1x128xi32, #tpu.memory_space<vmem>> -> memref<128xi32, #tpu.memory_space<vmem>>
    %dma_start3A_320 = arith.constant 0 : i32
    %dma_start3A_321 = arith.constant 0 : i32
    %dma_start3A_322 = tpu.memref_slice %arg3[%dma_start3A_320, %dma_start3A_321] : memref<100000x128xf32, #tpu.memory_space<hbm>> -> memref<100000x128xf32, #tpu.memory_space<hbm>>
    tpu.enqueue_indirect_dma source(%dma_start3A_322 : memref<100000x128xf32, #tpu.memory_space<hbm>>) target(%dma_start3A_316 : memref<128x128xf32, #tpu.memory_space<vmem>>) offsets(%dma_start3A_319 : memref<128xi32, #tpu.memory_space<vmem>>) semaphore(%arg8 : memref<!tpu.dma_semaphore, #tpu.memory_space<semaphore_mem>>)
    %dma_start3A_323 = arith.constant 1 : i32
    %dma_start3A_324 = arith.constant 1 : i32
    %dma_start3A_325 = arith.constant 0 : i32
    %dma_start3A_326 = arith.constant 0 : i32
    %dma_start3A_327 = tpu.memref_slice %arg6[%dma_start3A_324, %dma_start3A_325, %dma_start3A_326] : memref<4x128x128xf32, #tpu.memory_space<vmem>> -> memref<1x128x128xf32, #tpu.memory_space<vmem>>
    %dma_start3A_328 = tpu.memref_squeeze %dma_start3A_327 : memref<1x128x128xf32, #tpu.memory_space<vmem>> -> memref<128x128xf32, #tpu.memory_space<vmem>>
    %dma_start3A_329 = arith.constant 0 : i32
    %dma_start3A_330 = tpu.memref_slice %arg5[%dma_start3A_323, %dma_start3A_329] : memref<4x128xi32, #tpu.memory_space<vmem>> -> memref<1x128xi32, #tpu.memory_space<vmem>>
    %dma_start3A_331 = tpu.memref_squeeze %dma_start3A_330 : memref<1x128xi32, #tpu.memory_space<vmem>> -> memref<128xi32, #tpu.memory_space<vmem>>
    %dma_start3A_332 = arith.constant 0 : i32
    %dma_start3A_333 = arith.constant 0 : i32
    %dma_start3A_334 = tpu.memref_slice %arg3[%dma_start3A_332, %dma_start3A_333] : memref<100000x128xf32, #tpu.memory_space<hbm>> -> memref<100000x128xf32, #tpu.memory_space<hbm>>
    tpu.enqueue_indirect_dma source(%dma_start3A_334 : memref<100000x128xf32, #tpu.memory_space<hbm>>) target(%dma_start3A_328 : memref<128x128xf32, #tpu.memory_space<vmem>>) offsets(%dma_start3A_331 : memref<128xi32, #tpu.memory_space<vmem>>) semaphore(%arg8 : memref<!tpu.dma_semaphore, #tpu.memory_space<semaphore_mem>>)
    %dma_start3A_335 = arith.constant 2 : i32
    %dma_start3A_336 = arith.constant 2 : i32
    %dma_start3A_337 = arith.constant 0 : i32
    %dma_start3A_338 = arith.constant 0 : i32
    %dma_start3A_339 = tpu.memref_slice %arg6[%dma_start3A_336, %dma_start3A_337, %dma_start3A_338] : memref<4x128x128xf32, #tpu.memory_space<vmem>> -> memref<1x128x128xf32, #tpu.memory_space<vmem>>
    %dma_start3A_340 = tpu.memref_squeeze %dma_start3A_339 : memref<1x128x128xf32, #tpu.memory_space<vmem>> -> memref<128x128xf32, #tpu.memory_space<vmem>>
    %dma_start3A_341 = arith.constant 0 : i32
    %dma_start3A_342 = tpu.memref_slice %arg5[%dma_start3A_335, %dma_start3A_341] : memref<4x128xi32, #tpu.memory_space<vmem>> -> memref<1x128xi32, #tpu.memory_space<vmem>>
    %dma_start3A_343 = tpu.memref_squeeze %dma_start3A_342 : memref<1x128xi32, #tpu.memory_space<vmem>> -> memref<128xi32, #tpu.memory_space<vmem>>
    %dma_start3A_344 = arith.constant 0 : i32
    %dma_start3A_345 = arith.constant 0 : i32
    %dma_start3A_346 = tpu.memref_slice %arg3[%dma_start3A_344, %dma_start3A_345] : memref<100000x128xf32, #tpu.memory_space<hbm>> -> memref<100000x128xf32, #tpu.memory_space<hbm>>
    tpu.enqueue_indirect_dma source(%dma_start3A_346 : memref<100000x128xf32, #tpu.memory_space<hbm>>) target(%dma_start3A_340 : memref<128x128xf32, #tpu.memory_space<vmem>>) offsets(%dma_start3A_343 : memref<128xi32, #tpu.memory_space<vmem>>) semaphore(%arg8 : memref<!tpu.dma_semaphore, #tpu.memory_space<semaphore_mem>>)
    %dma_start3A_347 = arith.constant 3 : i32
    %dma_start3A_348 = arith.constant 3 : i32
    %dma_start3A_349 = arith.constant 0 : i32
    %dma_start3A_350 = arith.constant 0 : i32
    %dma_start3A_351 = tpu.memref_slice %arg6[%dma_start3A_348, %dma_start3A_349, %dma_start3A_350] : memref<4x128x128xf32, #tpu.memory_space<vmem>> -> memref<1x128x128xf32, #tpu.memory_space<vmem>>
    %dma_start3A_352 = tpu.memref_squeeze %dma_start3A_351 : memref<1x128x128xf32, #tpu.memory_space<vmem>> -> memref<128x128xf32, #tpu.memory_space<vmem>>
    %dma_start3A_353 = arith.constant 0 : i32
    %dma_start3A_354 = tpu.memref_slice %arg5[%dma_start3A_347, %dma_start3A_353] : memref<4x128xi32, #tpu.memory_space<vmem>> -> memref<1x128xi32, #tpu.memory_space<vmem>>
    %dma_start3A_355 = tpu.memref_squeeze %dma_start3A_354 : memref<1x128xi32, #tpu.memory_space<vmem>> -> memref<128xi32, #tpu.memory_space<vmem>>
    %dma_start3A_356 = arith.constant 0 : i32
    %dma_start3A_357 = arith.constant 0 : i32
    %dma_start3A_358 = tpu.memref_slice %arg3[%dma_start3A_356, %dma_start3A_357] : memref<100000x128xf32, #tpu.memory_space<hbm>> -> memref<100000x128xf32, #tpu.memory_space<hbm>>
    tpu.enqueue_indirect_dma source(%dma_start3A_358 : memref<100000x128xf32, #tpu.memory_space<hbm>>) target(%dma_start3A_352 : memref<128x128xf32, #tpu.memory_space<vmem>>) offsets(%dma_start3A_355 : memref<128xi32, #tpu.memory_space<vmem>>) semaphore(%arg8 : memref<!tpu.dma_semaphore, #tpu.memory_space<semaphore_mem>>)
    %dma_wait3A_359 = arith.constant 0 : i32
    %dma_wait3A_360 = arith.constant 0 : i32
    %dma_wait3A_361 = arith.constant 0 : i32
    %dma_wait3A_362 = arith.constant 0 : i32
    %dma_wait3A_363 = tpu.memref_slice %arg6[%dma_wait3A_360, %dma_wait3A_361, %dma_wait3A_362] : memref<4x128x128xf32, #tpu.memory_space<vmem>> -> memref<1x128x128xf32, #tpu.memory_space<vmem>>
    %dma_wait3A_364 = tpu.memref_squeeze %dma_wait3A_363 : memref<1x128x128xf32, #tpu.memory_space<vmem>> -> memref<128x128xf32, #tpu.memory_space<vmem>>
    %dma_wait3A_365 = arith.constant 0 : i32
    %dma_wait3A_366 = tpu.memref_slice %arg5[%dma_wait3A_359, %dma_wait3A_365] : memref<4x128xi32, #tpu.memory_space<vmem>> -> memref<1x128xi32, #tpu.memory_space<vmem>>
    %dma_wait3A_367 = tpu.memref_squeeze %dma_wait3A_366 : memref<1x128xi32, #tpu.memory_space<vmem>> -> memref<128xi32, #tpu.memory_space<vmem>>
    %dma_wait3A_368 = arith.constant 0 : i32
    %dma_wait3A_369 = arith.constant 0 : i32
    %dma_wait3A_370 = tpu.memref_slice %arg3[%dma_wait3A_368, %dma_wait3A_369] : memref<100000x128xf32, #tpu.memory_space<hbm>> -> memref<100000x128xf32, #tpu.memory_space<hbm>>
    tpu.wait_indirect_dma semaphore(%arg8 : memref<!tpu.dma_semaphore, #tpu.memory_space<semaphore_mem>>) src(%dma_wait3A_370 : memref<100000x128xf32, #tpu.memory_space<hbm>>) dst(%dma_wait3A_364 : memref<128x128xf32, #tpu.memory_space<vmem>>)
    %dma_wait3A_371 = arith.constant 1 : i32
    %dma_wait3A_372 = arith.constant 1 : i32
    %dma_wait3A_373 = arith.constant 0 : i32
    %dma_wait3A_374 = arith.constant 0 : i32
    %dma_wait3A_375 = tpu.memref_slice %arg6[%dma_wait3A_372, %dma_wait3A_373, %dma_wait3A_374] : memref<4x128x128xf32, #tpu.memory_space<vmem>> -> memref<1x128x128xf32, #tpu.memory_space<vmem>>
    %dma_wait3A_376 = tpu.memref_squeeze %dma_wait3A_375 : memref<1x128x128xf32, #tpu.memory_space<vmem>> -> memref<128x128xf32, #tpu.memory_space<vmem>>
    %dma_wait3A_377 = arith.constant 0 : i32
    %dma_wait3A_378 = tpu.memref_slice %arg5[%dma_wait3A_371, %dma_wait3A_377] : memref<4x128xi32, #tpu.memory_space<vmem>> -> memref<1x128xi32, #tpu.memory_space<vmem>>
    %dma_wait3A_379 = tpu.memref_squeeze %dma_wait3A_378 : memref<1x128xi32, #tpu.memory_space<vmem>> -> memref<128xi32, #tpu.memory_space<vmem>>
    %dma_wait3A_380 = arith.constant 0 : i32
    %dma_wait3A_381 = arith.constant 0 : i32
    %dma_wait3A_382 = tpu.memref_slice %arg3[%dma_wait3A_380, %dma_wait3A_381] : memref<100000x128xf32, #tpu.memory_space<hbm>> -> memref<100000x128xf32, #tpu.memory_space<hbm>>
    tpu.wait_indirect_dma semaphore(%arg8 : memref<!tpu.dma_semaphore, #tpu.memory_space<semaphore_mem>>) src(%dma_wait3A_382 : memref<100000x128xf32, #tpu.memory_space<hbm>>) dst(%dma_wait3A_376 : memref<128x128xf32, #tpu.memory_space<vmem>>)
    %dma_wait3A_383 = arith.constant 2 : i32
    %dma_wait3A_384 = arith.constant 2 : i32
    %dma_wait3A_385 = arith.constant 0 : i32
    %dma_wait3A_386 = arith.constant 0 : i32
    %dma_wait3A_387 = tpu.memref_slice %arg6[%dma_wait3A_384, %dma_wait3A_385, %dma_wait3A_386] : memref<4x128x128xf32, #tpu.memory_space<vmem>> -> memref<1x128x128xf32, #tpu.memory_space<vmem>>
    %dma_wait3A_388 = tpu.memref_squeeze %dma_wait3A_387 : memref<1x128x128xf32, #tpu.memory_space<vmem>> -> memref<128x128xf32, #tpu.memory_space<vmem>>
    %dma_wait3A_389 = arith.constant 0 : i32
    %dma_wait3A_390 = tpu.memref_slice %arg5[%dma_wait3A_383, %dma_wait3A_389] : memref<4x128xi32, #tpu.memory_space<vmem>> -> memref<1x128xi32, #tpu.memory_space<vmem>>
    %dma_wait3A_391 = tpu.memref_squeeze %dma_wait3A_390 : memref<1x128xi32, #tpu.memory_space<vmem>> -> memref<128xi32, #tpu.memory_space<vmem>>
    %dma_wait3A_392 = arith.constant 0 : i32
    %dma_wait3A_393 = arith.constant 0 : i32
    %dma_wait3A_394 = tpu.memref_slice %arg3[%dma_wait3A_392, %dma_wait3A_393] : memref<100000x128xf32, #tpu.memory_space<hbm>> -> memref<100000x128xf32, #tpu.memory_space<hbm>>
    tpu.wait_indirect_dma semaphore(%arg8 : memref<!tpu.dma_semaphore, #tpu.memory_space<semaphore_mem>>) src(%dma_wait3A_394 : memref<100000x128xf32, #tpu.memory_space<hbm>>) dst(%dma_wait3A_388 : memref<128x128xf32, #tpu.memory_space<vmem>>)
    %dma_wait3A_395 = arith.constant 3 : i32
    %dma_wait3A_396 = arith.constant 3 : i32
    %dma_wait3A_397 = arith.constant 0 : i32
    %dma_wait3A_398 = arith.constant 0 : i32
    %dma_wait3A_399 = tpu.memref_slice %arg6[%dma_wait3A_396, %dma_wait3A_397, %dma_wait3A_398] : memref<4x128x128xf32, #tpu.memory_space<vmem>> -> memref<1x128x128xf32, #tpu.memory_space<vmem>>
    %dma_wait3A_400 = tpu.memref_squeeze %dma_wait3A_399 : memref<1x128x128xf32, #tpu.memory_space<vmem>> -> memref<128x128xf32, #tpu.memory_space<vmem>>
    %dma_wait3A_401 = arith.constant 0 : i32
    %dma_wait3A_402 = tpu.memref_slice %arg5[%dma_wait3A_395, %dma_wait3A_401] : memref<4x128xi32, #tpu.memory_space<vmem>> -> memref<1x128xi32, #tpu.memory_space<vmem>>
    %dma_wait3A_403 = tpu.memref_squeeze %dma_wait3A_402 : memref<1x128xi32, #tpu.memory_space<vmem>> -> memref<128xi32, #tpu.memory_space<vmem>>
    %dma_wait3A_404 = arith.constant 0 : i32
    %dma_wait3A_405 = arith.constant 0 : i32
    %dma_wait3A_406 = tpu.memref_slice %arg3[%dma_wait3A_404, %dma_wait3A_405] : memref<100000x128xf32, #tpu.memory_space<hbm>> -> memref<100000x128xf32, #tpu.memory_space<hbm>>
    tpu.wait_indirect_dma semaphore(%arg8 : memref<!tpu.dma_semaphore, #tpu.memory_space<semaphore_mem>>) src(%dma_wait3A_406 : memref<100000x128xf32, #tpu.memory_space<hbm>>) dst(%dma_wait3A_400 : memref<128x128xf32, #tpu.memory_space<vmem>>)
    %scan3A_407 = arith.constant 0 : i32
    %scan3A_408 = arith.constant 128 : i32
    %scan3A_409 = arith.addi %scan3A_407, %scan3A_408 : i32
    %scan3A_410 = arith.constant 1 : i32
    scf.for %scan3A_412 = %scan3A_407 to %scan3A_409 step %scan3A_410  : i32 {
      %get3A = arith.constant 0 : i32
      %get3A_413 = arith.index_cast %get3A : i32 to index
      %get3A_414 = arith.index_cast %scan3A_412 : i32 to index
      %get3A_415 = arith.constant 0 : index
      %get3A_416 = tpu.vector_load %arg6[%get3A_413, %get3A_414, %get3A_415] {strides = array<i32>} : memref<4x128x128xf32, #tpu.memory_space<vmem>>, vector<1x1x16xf32>,
      %get3A_417 = vector.shape_cast %get3A_416 : vector<1x1x16xf32> to vector<16xf32>
      %swap3A = arith.index_cast %scan3A_412 : i32 to index
      %swap3A_418 = arith.constant 0 : index
      %swap3A_419 = tpu.vector_load %arg7[%swap3A, %swap3A_418] {strides = array<i32>} : memref<128x128xf32, #tpu.memory_space<vmem>>, vector<1x16xf32>,
      %swap3A_420 = vector.shape_cast %swap3A_419 : vector<1x16xf32> to vector<16xf32>
      %swap3A_421 = vector.shape_cast %get3A_417 : vector<16xf32> to vector<1x16xf32>
      tpu.vector_store %arg7[%swap3A, %swap3A_418], %swap3A_421 {strides = array<i32>} : memref<128x128xf32, #tpu.memory_space<vmem>>, vector<1x16xf32>,
      %get3A_422 = arith.constant 0 : i32
      %get3A_423 = arith.index_cast %get3A_422 : i32 to index
      %get3A_424 = arith.index_cast %scan3A_412 : i32 to index
      %get3A_425 = arith.constant 16 : index
      %get3A_426 = tpu.vector_load %arg6[%get3A_423, %get3A_424, %get3A_425] {strides = array<i32>} : memref<4x128x128xf32, #tpu.memory_space<vmem>>, vector<1x1x16xf32>,
      %get3A_427 = vector.shape_cast %get3A_426 : vector<1x1x16xf32> to vector<16xf32>
      %swap3A_428 = arith.index_cast %scan3A_412 : i32 to index
      %swap3A_429 = arith.constant 16 : index
      %swap3A_430 = tpu.vector_load %arg7[%swap3A_428, %swap3A_429] {strides = array<i32>} : memref<128x128xf32, #tpu.memory_space<vmem>>, vector<1x16xf32>,
      %swap3A_431 = vector.shape_cast %swap3A_430 : vector<1x16xf32> to vector<16xf32>
      %swap3A_432 = vector.shape_cast %get3A_427 : vector<16xf32> to vector<1x16xf32>
      tpu.vector_store %arg7[%swap3A_428, %swap3A_429], %swap3A_432 {strides = array<i32>} : memref<128x128xf32, #tpu.memory_space<vmem>>, vector<1x16xf32>,
      %get3A_433 = arith.constant 1 : i32
      %get3A_434 = arith.index_cast %get3A_433 : i32 to index
      %get3A_435 = arith.index_cast %scan3A_412 : i32 to index
      %get3A_436 = arith.constant 32 : index
      %get3A_437 = tpu.vector_load %arg6[%get3A_434, %get3A_435, %get3A_436] {strides = array<i32>} : memref<4x128x128xf32, #tpu.memory_space<vmem>>, vector<1x1x16xf32>,
      %get3A_438 = vector.shape_cast %get3A_437 : vector<1x1x16xf32> to vector<16xf32>
      %swap3A_439 = arith.index_cast %scan3A_412 : i32 to index
      %swap3A_440 = arith.constant 32 : index
      %swap3A_441 = tpu.vector_load %arg7[%swap3A_439, %swap3A_440] {strides = array<i32>} : memref<128x128xf32, #tpu.memory_space<vmem>>, vector<1x16xf32>,
      %swap3A_442 = vector.shape_cast %swap3A_441 : vector<1x16xf32> to vector<16xf32>
      %swap3A_443 = vector.shape_cast %get3A_438 : vector<16xf32> to vector<1x16xf32>
      tpu.vector_store %arg7[%swap3A_439, %swap3A_440], %swap3A_443 {strides = array<i32>} : memref<128x128xf32, #tpu.memory_space<vmem>>, vector<1x16xf32>,
      %get3A_444 = arith.constant 1 : i32
      %get3A_445 = arith.index_cast %get3A_444 : i32 to index
      %get3A_446 = arith.index_cast %scan3A_412 : i32 to index
      %get3A_447 = arith.constant 48 : index
      %get3A_448 = tpu.vector_load %arg6[%get3A_445, %get3A_446, %get3A_447] {strides = array<i32>} : memref<4x128x128xf32, #tpu.memory_space<vmem>>, vector<1x1x16xf32>,
      %get3A_449 = vector.shape_cast %get3A_448 : vector<1x1x16xf32> to vector<16xf32>
      %swap3A_450 = arith.index_cast %scan3A_412 : i32 to index
      %swap3A_451 = arith.constant 48 : index
      %swap3A_452 = tpu.vector_load %arg7[%swap3A_450, %swap3A_451] {strides = array<i32>} : memref<128x128xf32, #tpu.memory_space<vmem>>, vector<1x16xf32>,
      %swap3A_453 = vector.shape_cast %swap3A_452 : vector<1x16xf32> to vector<16xf32>
      %swap3A_454 = vector.shape_cast %get3A_449 : vector<16xf32> to vector<1x16xf32>
      tpu.vector_store %arg7[%swap3A_450, %swap3A_451], %swap3A_454 {strides = array<i32>} : memref<128x128xf32, #tpu.memory_space<vmem>>, vector<1x16xf32>,
      %get3A_455 = arith.constant 2 : i32
      %get3A_456 = arith.index_cast %get3A_455 : i32 to index
      %get3A_457 = arith.index_cast %scan3A_412 : i32 to index
      %get3A_458 = arith.constant 64 : index
      %get3A_459 = tpu.vector_load %arg6[%get3A_456, %get3A_457, %get3A_458] {strides = array<i32>} : memref<4x128x128xf32, #tpu.memory_space<vmem>>, vector<1x1x16xf32>,
      %get3A_460 = vector.shape_cast %get3A_459 : vector<1x1x16xf32> to vector<16xf32>
      %swap3A_461 = arith.index_cast %scan3A_412 : i32 to index
      %swap3A_462 = arith.constant 64 : index
      %swap3A_463 = tpu.vector_load %arg7[%swap3A_461, %swap3A_462] {strides = array<i32>} : memref<128x128xf32, #tpu.memory_space<vmem>>, vector<1x16xf32>,
      %swap3A_464 = vector.shape_cast %swap3A_463 : vector<1x16xf32> to vector<16xf32>
      %swap3A_465 = vector.shape_cast %get3A_460 : vector<16xf32> to vector<1x16xf32>
      tpu.vector_store %arg7[%swap3A_461, %swap3A_462], %swap3A_465 {strides = array<i32>} : memref<128x128xf32, #tpu.memory_space<vmem>>, vector<1x16xf32>,
      %get3A_466 = arith.constant 2 : i32
      %get3A_467 = arith.index_cast %get3A_466 : i32 to index
      %get3A_468 = arith.index_cast %scan3A_412 : i32 to index
      %get3A_469 = arith.constant 80 : index
      %get3A_470 = tpu.vector_load %arg6[%get3A_467, %get3A_468, %get3A_469] {strides = array<i32>} : memref<4x128x128xf32, #tpu.memory_space<vmem>>, vector<1x1x16xf32>,
      %get3A_471 = vector.shape_cast %get3A_470 : vector<1x1x16xf32> to vector<16xf32>
      %swap3A_472 = arith.index_cast %scan3A_412 : i32 to index
      %swap3A_473 = arith.constant 80 : index
      %swap3A_474 = tpu.vector_load %arg7[%swap3A_472, %swap3A_473] {strides = array<i32>} : memref<128x128xf32, #tpu.memory_space<vmem>>, vector<1x16xf32>,
      %swap3A_475 = vector.shape_cast %swap3A_474 : vector<1x16xf32> to vector<16xf32>
      %swap3A_476 = vector.shape_cast %get3A_471 : vector<16xf32> to vector<1x16xf32>
      tpu.vector_store %arg7[%swap3A_472, %swap3A_473], %swap3A_476 {strides = array<i32>} : memref<128x128xf32, #tpu.memory_space<vmem>>, vector<1x16xf32>,
      %get3A_477 = arith.constant 3 : i32
      %get3A_478 = arith.index_cast %get3A_477 : i32 to index
      %get3A_479 = arith.index_cast %scan3A_412 : i32 to index
      %get3A_480 = arith.constant 96 : index
      %get3A_481 = tpu.vector_load %arg6[%get3A_478, %get3A_479, %get3A_480] {strides = array<i32>} : memref<4x128x128xf32, #tpu.memory_space<vmem>>, vector<1x1x16xf32>,
      %get3A_482 = vector.shape_cast %get3A_481 : vector<1x1x16xf32> to vector<16xf32>
      %swap3A_483 = arith.index_cast %scan3A_412 : i32 to index
      %swap3A_484 = arith.constant 96 : index
      %swap3A_485 = tpu.vector_load %arg7[%swap3A_483, %swap3A_484] {strides = array<i32>} : memref<128x128xf32, #tpu.memory_space<vmem>>, vector<1x16xf32>,
      %swap3A_486 = vector.shape_cast %swap3A_485 : vector<1x16xf32> to vector<16xf32>
      %swap3A_487 = vector.shape_cast %get3A_482 : vector<16xf32> to vector<1x16xf32>
      tpu.vector_store %arg7[%swap3A_483, %swap3A_484], %swap3A_487 {strides = array<i32>} : memref<128x128xf32, #tpu.memory_space<vmem>>, vector<1x16xf32>,
      %get3A_488 = arith.constant 3 : i32
      %get3A_489 = arith.index_cast %get3A_488 : i32 to index
      %get3A_490 = arith.index_cast %scan3A_412 : i32 to index
      %get3A_491 = arith.constant 112 : index
      %get3A_492 = tpu.vector_load %arg6[%get3A_489, %get3A_490, %get3A_491] {strides = array<i32>} : memref<4x128x128xf32, #tpu.memory_space<vmem>>, vector<1x1x16xf32>,
      %get3A_493 = vector.shape_cast %get3A_492 : vector<1x1x16xf32> to vector<16xf32>
      %swap3A_494 = arith.index_cast %scan3A_412 : i32 to index
      %swap3A_495 = arith.constant 112 : index
      %swap3A_496 = tpu.vector_load %arg7[%swap3A_494, %swap3A_495] {strides = array<i32>} : memref<128x128xf32, #tpu.memory_space<vmem>>, vector<1x16xf32>,
      %swap3A_497 = vector.shape_cast %swap3A_496 : vector<1x16xf32> to vector<16xf32>
      %swap3A_498 = vector.shape_cast %get3A_493 : vector<16xf32> to vector<1x16xf32>
      tpu.vector_store %arg7[%swap3A_494, %swap3A_495], %swap3A_498 {strides = array<i32>} : memref<128x128xf32, #tpu.memory_space<vmem>>, vector<1x16xf32>,
    }
    %scan3A_411 = arith.constant 128 : i32
    "tpu.region"() ({
      %run_scoped3A = tpu.sem_alloc : memref<!tpu.dma_semaphore, #tpu.memory_space<semaphore_mem>>
      %dma_start3A_412 = arith.constant 0 : i32
      %dma_start3A_413 = tpu.memref_slice %arg4[%add3A_310, %dma_start3A_412] : memref<16384x128xf32, #tpu.memory_space<hbm>> -> memref<128x128xf32, #tpu.memory_space<hbm>>
      %dma_start3A_414 = arith.constant 0 : i32
      %dma_start3A_415 = tpu.memref_slice %arg4[%add3A_310, %dma_start3A_414] : memref<16384x128xf32, #tpu.memory_space<hbm>> -> memref<128x128xf32, #tpu.memory_space<hbm>>
      tpu.enqueue_dma source(%arg7 : memref<128x128xf32, #tpu.memory_space<vmem>>) target(%dma_start3A_415 : memref<128x128xf32, #tpu.memory_space<hbm>>) target_semaphore(%run_scoped3A : memref<!tpu.dma_semaphore, #tpu.memory_space<semaphore_mem>>)
      %dma_wait3A_416 = arith.constant 0 : i32
      %dma_wait3A_417 = tpu.memref_slice %arg4[%add3A_310, %dma_wait3A_416] : memref<16384x128xf32, #tpu.memory_space<hbm>> -> memref<128x128xf32, #tpu.memory_space<hbm>>
      %dma_wait3A_418 = arith.constant 0 : i32
      %dma_wait3A_419 = tpu.memref_slice %arg4[%add3A_310, %dma_wait3A_418] : memref<16384x128xf32, #tpu.memory_space<hbm>> -> memref<128x128xf32, #tpu.memory_space<hbm>>
      tpu.wait_dma2 semaphore(%run_scoped3A : memref<!tpu.dma_semaphore, #tpu.memory_space<semaphore_mem>>) src(%arg7 : memref<128x128xf32, #tpu.memory_space<vmem>>) dst(%dma_wait3A_419 : memref<128x128xf32, #tpu.memory_space<hbm>>)
      tpu.yield
    }) : () -> ()
    return
  }
}

module attributes {stable_mosaic.version = 14 : i64} {
  func.func @_tc_pack_body(%arg0: i32, %arg1: memref<128x8192xf32, #tpu.memory_space<vmem>>, %arg2: memref<8192x128xf32, #tpu.memory_space<vmem>>) attributes {dimension_semantics = [#tpu.dimension_semantics<arbitrary>], iteration_bounds = array<i64: 13>, scalar_prefetch = 0 : i64, scratch_operands = 0 : i64, tpu.core_type = #tpu.core_type<tc>, window_params = [{transform_indices = @transform_0, window_bounds = array<i64: 128, 8192>}, {transform_indices = @transform_1, window_bounds = array<i64: 8192, 128>}]} {
    %get3A = arith.constant 0 : index
    %get3A_0 = arith.constant 0 : index
    %get3A_1 = vector.load %arg1[%get3A, %get3A_0] : memref<128x8192xf32, #tpu.memory_space<vmem>>, vector<128x8192xf32>
    %transpose3A = tpu.transpose %get3A_1, [1, 0] : vector<128x8192xf32> -> vector<8192x128xf32>
    %swap3A = arith.constant 0 : index
    %swap3A_2 = arith.constant 0 : index
    %swap3A_3 = vector.load %arg2[%swap3A, %swap3A_2] : memref<8192x128xf32, #tpu.memory_space<vmem>>, vector<8192x128xf32>
    tpu.vector_store %arg2[%swap3A, %swap3A_2], %transpose3A {strides = array<i32>} : memref<8192x128xf32, #tpu.memory_space<vmem>>, vector<8192x128xf32>,
    return
  }
  func.func @transform_0(%arg0: i32) -> (i32, i32) {
    %c0_i32 = arith.constant 0 : i32
    %c0_i32_0 = arith.constant 0 : i32
    return %c0_i32, %arg0 : i32, i32
  }
  func.func @transform_1(%arg0: i32) -> (i32, i32) {
    %c0_i32 = arith.constant 0 : i32
    %c0_i32_0 = arith.constant 0 : i32
    return %arg0, %c0_i32 : i32, i32
  }
}

</mosaic_0001>

<sc_bundles>
// kernel: kernel.4.cloned.1.call-start
scs
__scs_entry_jumppad:
0x0: {  	(pc) =	sbr.rel $0x88, $3  }
0x1: {  	(tag) =	ssettag $0x0;
	lr =	simm.s32 $0x1  }
0x2: {  	[smem:$0x3F9C] =	sst lr;
	_ =	strace $0xD0000000  }
0x3: {  	_ = 	snop  }
0x4: {  	_ = 	snop  }
0x5: {  	_ = 	snop  }
0x6: {  	_ = 	snop  }
0x7: {  	_ = 	snop  }
__scs_overlays_trampoline_lowered:
0x8: {  	[smem:$0x3FAB] =	sst s0  }
0x9: {  	[smem:$0x3FAC] =	sst s1  }
0xa: {  	[smem:$0x3FAD] =	sst s2  }
0xb: {  	[smem:$0x3FAE] =	sst s3  }
0xc: {  	[smem:$0x3FAF] =	sst s4  }
0xd: {  	[smem:$0x3FB0] =	sst s5  }
0xe: {  	[smem:$0x3FB1] =	sst s6  }
0xf: {  	[smem:$0x3FB2] =	sst s7  }
0x10: {  	[smem:$0x3FB3] =	sst s8  }
0x11: {  	[smem:$0x3FB4] =	sst s9;
	s0 =	simm.s32 @!p0 $0x0  }
0x12: {  	s1 =	sld [smem:$0x3F9A];
	s0 =	simm.s32 @p0 $0x1  }
0x13: {  	[smem:$0x3FB5] =	sst s0;
	s0 =	simm.s32 @!p1 $0x0  }
0x14: {  	s2 =	sld [smem:$0x3F99];
	s0 =	simm.s32 @p1 $0x1  }
0x15: {  	[smem:$0x3FB6] =	sst s0;
	s0 =	simm.s32 @!p2 $0x0  }
0x16: {  	s3 =	sld [smem:$0x3FDB];
	s0 =	simm.s32 @p2 $0x1  }
0x17: {  	s4 =	simm.s32 $0x1BF5;
	[smem:$0x3FB8] =	sst s0  }
0x18: {  	s0 =	sld [smem:$0x3F9B];
	_ =	swait.ge [sflag:s4], $0x0  }
0x19: {  	s7 =	sld [smem:$0x3F9C]  }
0x1a: {  	s8 =	sadd.s32 $0xFFFFE003, lr  }
0x1b: {  	s9 =	sadd.s32 $0xFFFFFEF7, lr;
	s5 =	simm.s32 $0xFFFFFFFF;
	p2 =	slt.u32 s8, $0xFFFFF086  }
0x1c: {  	p1 =	slt.u32 s9, $0xF7A;
	s5 =	simm.s32 @!p2 $0x0  }
0x1d: {  	s5 =	simm.s32 @p1 $0x1;
	p0 =	seq.s32 s7, s2  }
0x1e: {  	s7 =	smul.u32 @!p0 $0xF7A, s2;
	p2 =	seq.s32 @!p0 s5, $0x0  }
0x1f: {  	s9 =	smul.u32 $0xF7A, s1;
	s8 =	simm.s32 @!p0 $0x1BF5;
	p2 =	por !p2, p0  }
0x20: {  	[sflag:s8] =	ssyncset.s32 @!p0 $0xFFFFF086;
	s6 =	sadd.s32 @!p0 s3, s7;
	s7 =	simm.s32 @!p0 $0x108  }
0x21: {  	s3 =	sadd.s32 s3, s9;
	s6 =	sadd.s32 @!p0 $0x88, s6;
	s7 =	simm.s32 @p2 $0x1082  }
0x22: {  	[simem:s7], [sflag:s8] =	dma.local @!p0 [hbm:s6], $0xF7A  }
0x23: {  	s9 =	sor.u32 $0xD0000000, s2;
	s6 =	simm.s32 $0x108;
	_ =	swait.ge @!p0 [sflag:s8], $0x0  }
0x24: {  	s3 =	sadd.s32 $0x88, s3;
	s6 =	simm.s32 @!p1 $0x1082;
	[sflag:s4] =	ssyncset.s32 $0xFFFFF086  }
0x25: {  	[simem:s6], [sflag:s4] =	dma.local [hbm:s3], $0xF7A  }
0x26: {  	[smem:$0x3F9C] =	sst s1;
	(tag) =	ssettag s2;
	_ =	strace s9  }
0x27: {  	s1 =	sld [smem:$0x3FAC]  }
0x28: {  	s2 =	sld [smem:$0x3FAD]  }
0x29: {  	s4 =	sld [smem:$0x3FAF]  }
0x2a: {  	p0 =	seq.s32 s5, $0x0;
	s5 =	sld [smem:$0x3FB0]  }
0x2b: {  	s6 =	sld [smem:$0x3FB1]  }
0x2c: {  	s7 =	sld [smem:$0x3FB2]  }
0x2d: {  	s3 =	simm.s32 $0x108;
	s8 =	sld [smem:$0x3FB3]  }
0x2e: {  	s3 =	simm.s32 @!p0 $0x1082;
	s9 =	sld [smem:$0x3FB4]  }
0x2f: {  	lr =	sadd.s32 s0, s3;
	s0 =	sld [smem:$0x3FAB]  }
0x30: {  	s3 =	sld [smem:$0x3FAE]  }
0x31: {  	[smem:$0x3FB7] =	sst s10  }
0x32: {  	s10 =	sld [smem:$0x3FB5];
	_ =	sdelay $0x3  }
0x33: {  	p0 =	seq.s32 s10, $0x1;
	s10 =	sld [smem:$0x3FB7];
	_ =	sdelay $0x3  }
0x34: {  	[smem:$0x3FB7] =	sst s10  }
0x35: {  	s10 =	sld [smem:$0x3FB6];
	_ =	sdelay $0x3  }
0x36: {  	p1 =	seq.s32 s10, $0x1;
	s10 =	sld [smem:$0x3FB7];
	_ =	sdelay $0x3  }
0x37: {  	[smem:$0x3FB7] =	sst s10  }
0x38: {  	s10 =	sld [smem:$0x3FB8]  }
0x39: {  	_ = 	snop;
	(pc) =	sbr.ind lr, $3  }
0x3a: {  	_ = 	snop  }
0x3b: {  	_ = 	snop  }
0x3c: {  	p2 =	seq.s32 s10, $0x1;
	s10 =	sld [smem:$0x3FB7]  }
0x3d: {  	_ =	shalt  }
0x3e: {  	_ =	shalt  }
0x3f: {  	_ =	shalt  }
0x40: {  	_ =	shalt  }
0x41: {  	_ =	shalt  }
0x42: {  	_ =	shalt  }
0x43: {  	_ =	shalt  }
0x44: {  	_ =	shalt  }
0x45: {  	_ =	shalt  }
0x46: {  	_ =	shalt  }
0x47: {  	_ =	shalt  }
0x48: {  	_ =	shalt  }
0x49: {  	_ =	shalt  }
0x4a: {  	_ =	shalt  }
0x4b: {  	_ =	shalt  }
0x4c: {  	_ =	shalt  }
0x4d: {  	_ =	shalt  }
0x4e: {  	_ =	shalt  }
0x4f: {  	_ =	shalt  }
0x50: {  	_ =	shalt  }
0x51: {  	_ =	shalt  }
0x52: {  	_ =	shalt  }
0x53: {  	_ =	shalt  }
0x54: {  	_ =	shalt  }
0x55: {  	_ =	shalt  }
0x56: {  	_ =	shalt  }
0x57: {  	_ =	shalt  }
0x58: {  	_ =	shalt  }
0x59: {  	_ =	shalt  }
0x5a: {  	_ =	shalt  }
0x5b: {  	_ =	shalt  }
0x5c: {  	_ =	shalt  }
0x5d: {  	_ =	shalt  }
0x5e: {  	_ =	shalt  }
0x5f: {  	_ =	shalt  }
0x60: {  	_ =	shalt  }
0x61: {  	_ =	shalt  }
0x62: {  	_ =	shalt  }
0x63: {  	_ =	shalt  }
0x64: {  	_ =	shalt  }
0x65: {  	_ =	shalt  }
0x66: {  	_ =	shalt  }
0x67: {  	_ =	shalt  }
0x68: {  	_ =	shalt  }
0x69: {  	_ =	shalt  }
0x6a: {  	_ =	shalt  }
0x6b: {  	_ =	shalt  }
0x6c: {  	_ =	shalt  }
0x6d: {  	_ =	shalt  }
0x6e: {  	_ =	shalt  }
0x6f: {  	_ =	shalt  }
0x70: {  	_ =	shalt  }
0x71: {  	_ =	shalt  }
0x72: {  	_ =	shalt  }
0x73: {  	_ =	shalt  }
0x74: {  	_ =	shalt  }
0x75: {  	_ =	shalt  }
0x76: {  	_ =	shalt  }
0x77: {  	_ =	shalt  }
0x78: {  	_ =	shalt  }
0x79: {  	_ =	shalt  }
0x7a: {  	_ =	shalt  }
0x7b: {  	_ =	shalt  }
0x7c: {  	_ =	shalt  }
0x7d: {  	_ =	shalt  }
0x7e: {  	_ =	shalt  }
0x7f: {  	_ =	shalt  }
0x80: {  	_ =	shalt  }
0x81: {  	_ =	shalt  }
0x82: {  	_ =	shalt  }
0x83: {  	_ =	shalt  }
0x84: {  	_ =	shalt  }
0x85: {  	_ =	shalt  }
0x86: {  	_ =	shalt  }
0x87: {  	_ =	shalt  }
.Lfunc_end0:
.L_simem_size_0:
called_computation_lowered:
.L_overlay_start_0:
0x88: {  	s2 =	sld [smem:$0x3FD9]  }
0x89: {  	s3 =	sld [smem:$0x3FFE];
	_ =	sdelay $0x1  }
0x8a: {  	s1 =	srdreg.scid  }
0x8b: {  	s0 =	sand.u32 $0x1, s1  }
0x8c: {  	s17 =	sshll.u32 s0, $0xA;
	s2 =	sadd.s32 s3, s2  }
0x8d: {  	s2 =	sadd.s32 s2, s17  }
0x8e: {  	[smem:$0x3FC3] =	sst s2  }
0x8f: {  	_ = 	snop  }
0x90: {  	s2 =	sld [smem:$0x3FC9]  }
0x91: {  	s18 =	sld [smem:$0x3FD0];
	(tm) =	ssettm $0x1  }
0x92: {  	s4 =	sld [smem:$0x3FFB];
	_ =	sdelay $0x3  }
0x93: {  	_ =	strace s4  }
0x94: {  	s4 =	sld [smem:$0x3FFC];
	_ =	sdelay $0x3  }
0x95: {  	_ =	strace s4  }
0x96: {  	s4 =	sld [smem:$0x3FFD];
	_ =	sdelay $0x3  }
0x97: {  	_ =	strace s4  }
0x98: {  	_ =	strace $0x8FFFFFFF  }
0x99: {  	s19 =	sld [smem:$0x3FDB];
	_ =	sdelay $0x1  }
0x9a: {  	s5 =	simm.s32 $_scs_section_size  }
0x9b: {  	s6 =	simm.s32 $_size__tile_overlayer_lowered;
	s7 =	simm.s32 $_tile_overlayer_lowered  }
0x9c: {  	s22 =	simm.s32 $0x1BFF;
	s21 =	sshll.u32 s7, $0x1;
	s4 =	sadd.s32 s5, s19  }
0x9d: {  	s8 =	simm.s32 $0x0;
	s20 =	sshll.u32 s6, $0x1;
	s6 =	sadd.s32 s21, s4  }
0x9e: {  	[timem:s8], [sflag:s22] =	dma.local [hbm:s6], s20  }
0x9f: {  	_ =	swait.ge [sflag:s22], s20  }
0xa0: {  	s5 =	ssub.s32 $0x0, s20;
	[sflag:s22] =	ssyncset.done $0x0  }
0xa1: {  	[sflag:s22] =	ssyncadd.s32 s5;
	_ =	sdelay $0x1  }
0xa2: {  	s23 =	simm.s32 $0x1B8B  }
0xa3: {  	_ =	swait.ge [sflag:s23], $0x1  }
0xa4: {  	[sflag:s23] =	ssyncset.done $0x0  }
0xa5: {  	s25 =	simm.s32 $0x1B8E;
	s24 =	sld [smem:$0x3FFE];
	[sflag:s23] =	ssyncadd.s32 $0xFFFFFFFF  }
0xa6: {  	s26 =	simm.s32 $execute0_lowered;
	[smem:$0x3FD2] =	sst s25  }
0xa7: {  	s6 =	sshll.u32 s26, $0x1;
	_ =	strace $0x80000046;
	[dreg:$0x1] =	wrdreg $0xFFFFFFFF  }
0xa8: {  	s28 =	simm.s32 $_size_execute0_lowered;
	s4 =	sadd.s32 s4, s6;
	[dreg:$0x0] =	wrdreg $0x0  }
0xa9: {  	s6 =	sshll.u32 s28, $0x1;
	[dreg:$0x2] =	wrdreg s4  }
0xaa: {  	[dreg:$0x3] =	wrdreg s6  }
0xab: {  	[dreg:$0x4] =	wrdreg $0xC0  }
0xac: {  	_ =	task [dreg:s8], $0x5FFFF  }
0xad: {  	[dreg:$0x1] =	wrdreg $0xFFFFFFFF  }
0xae: {  	[dreg:$0x0] =	wrdreg $0x60  }
0xaf: {  	[dreg:$0x2] =	wrdreg s2  }
0xb0: {  	[dreg:$0x3] =	wrdreg s24  }
0xb1: {  	[dreg:$0x4] =	wrdreg s18  }
0xb2: {  	[dreg:$0x5] =	wrdreg $0x9  }
0xb3: {  	_ =	task.clear_ibuf [dreg:s8], $0x6FFFF;
	_ =	strace $0x90000046  }
0xb4: {  	s29 =	simm.s32 $0x9;
	_ =	strace $0x80000048  }
0xb5: {  	_ =	swait.ge [sflag:s29], $0x1  }
0xb6: {  	[sflag:s29] =	ssyncadd.s32 $0xFFFFFFFF  }
0xb7: {  	_ =	strace $0x90000048  }
0xb8: {  	_ =	sfence  }
0xb9: {  	s30 =	sld [smem:$0x0];
	_ =	sdelay $0x2  }
0xba: {  	s31 =	sshll.u32 s1, $0xD;
	s1 =	sshrl.u32 s1, $0x2  }
0xbb: {  	s3 =	sand.u32 $0x4000, s31;
	s1 =	sadd.s32 s1, s30  }
0xbc: {  	s0 =	sor.u32 s3, s0;
	s1 =	sshll.u32 s1, $0x11  }
0xbd: {  	s0 =	sor.u32 s1, s0  }
0xbe: {  	s0 =	sadd.s32 $0x8F2B, s0  }
0xbf: {  	[sflag:s0] =	ssyncadd.remote.s32 $0x1  }
0xc0: {  	_ =	sfence.sel $0xFFFF  }
0xc1: {  	[dreg:$0x0] =	wrdreg $0xFFFFFFFF;
	(pc) =	sbr.abs _section_cstart, $3  }
0xc2: {  	[dreg:$0x1] =	wrdreg $0xFFFFFFFF  }
0xc3: {  	_ =	task.clear_ibuf [dreg:s8], $0x2FFFF;
	_ =	strace $0x9FFFFFFF  }
0xc4: {  	(tm) =	ssettm $0x7FFFFFFF  }
0xc5: {  	_ =	shalt  }
tec
execute0_lowered:
.L_overlay_start_1:
0x0: {  	(tag) =	ssettag $0x1  }
0x1: {  	s10 =	rddreg [dreg:$0x0]  }
0x2: {  	s3 =	rddreg [dreg:$0x1]  }
0x3: {  	s11 =	rddreg [dreg:$0x2]  }
0x4: {  	s0 =	rddreg [dreg:$0x3];
	s2 =	simm.s32 $0x0;
	s4 =	srdreg.scid  }
0x5: {  	s1 =	stileid.u32;
	s16 =	simm.s32 $0x4200;
	s17 =	simm.s32 $0x100  }
0x6: {  	s18 =	simm.s32 $0x8200;
	s19 =	simm.s32 $0x180;
	s20 =	simm.s32 $0xC200  }
0x7: {  	s21 =	simm.s32 $0x1;
	s22 =	simm.s32 $0x10200;
	s23 =	simm.s32 $0x0  }
0x8: {  	[smem:$0x7FF] =	sst s2;
	s4 =	sand.u32 $0x1, s4;
	s6 =	sshll.u32 s1, $0xA  }
0x9: {  	s3 =	sadd.s32 $0x187400, s3;
	s5 =	ssub.s32 $0x2, s4;
	s4 =	sshll.u32 s4, $0x9  }
0xa: {  	_ =	strace $0x80000047;
	s7 =	sshrl.u32 s5, $0x1;
	s9 =	sor.u32 s4, s6  }
0xb: {  	s12 =	ssub.s32 s5, s7;
	s4 =	sshrl.u32 s9, $0x1;
	s29 =	sshll.u32 s9, $0x4  }
0xc: {  	s30 =	sor.u32 $0x80, s9;
	s13 =	sor.u32 $0x100, s9;
	s9 =	sor.u32 $0x180, s9  }
0xd: {  	s4 =	sadd.s32 s10, s4;
	s5 =	sadd.s32 s11, s29;
	s31 =	sshrl.u32 s30, $0x1  }
0xe: {  	s7 =	sshll.u32 s30, $0x4;
	s8 =	sshrl.u32 s13, $0x1;
	s13 =	sshll.u32 s13, $0x4  }
0xf: {  	s14 =	sshrl.u32 s9, $0x1;
	s15 =	sshll.u32 s9, $0x4;
	s12 =	smax.u32 s12, $0x1  }
0x10: {  	s6 =	sadd.s32 s10, s31;
	s7 =	sadd.s32 s11, s7;
	s8 =	sadd.s32 s10, s8  }
0x11: {  	s9 =	sadd.s32 s11, s13;
	s10 =	sadd.s32 s10, s14;
	s11 =	sadd.s32 s11, s15  }
0x12: {  	s13 =	simm.s32 $0x2;
	s14 =	simm.s32 $0x80;
	s15 =	simm.s32 $0x200  }
.LBB2_1:
0x13: {  	[tilespmem:s2], [sflag:$0x2] =	stream.linear.gather [hbm4b:s4+s2], $0x200, $0x38;
	[tilespmem:$0x14200] =	vst v63  }
0x14: {  	_ =	swait.ge [sflag:s13], $0x200  }
0x15: {  	[sflag:s13] =	ssyncset.done $0x0  }
0x16: {  	[sflag:s13] =	ssyncadd.s32 $0xFFFFFE00  }
0x17: {  	[tilespmem:s15], [sflag:$0x1] =	stream.indirect.gather [hbm4b:s3+s14], $0x80, s2, s14, $0xb8;
	[tilespmem:$0x14200] =	vst v63  }
0x18: {  	_ = 	snop  }
0x19: {  	[tilespmem:s16], [sflag:$0x1] =	stream.indirect.gather [hbm4b:s3+s14], $0x80, s14, s14, $0xb8;
	[tilespmem:$0x14200] =	vst v63  }
0x1a: {  	_ = 	snop  }
0x1b: {  	[tilespmem:s18], [sflag:$0x1] =	stream.indirect.gather [hbm4b:s3+s14], $0x80, s17, s14, $0xb8;
	[tilespmem:$0x14200] =	vst v63  }
0x1c: {  	_ = 	snop  }
0x1d: {  	[tilespmem:s20], [sflag:$0x1] =	stream.indirect.gather [hbm4b:s3+s14], $0x80, s19, s14, $0xb8;
	[tilespmem:$0x14200] =	vst v63  }
0x1e: {  	_ =	swait.ge [sflag:s21], $0x4000  }
0x1f: {  	[sflag:s21] =	ssyncset.done $0x0  }
0x20: {  	[sflag:s21] =	ssyncadd.s32 $0xFFFFC000  }
0x21: {  	_ =	swait.ge [sflag:s21], $0x4000  }
0x22: {  	[sflag:s21] =	ssyncset.done $0x0  }
0x23: {  	[sflag:s21] =	ssyncadd.s32 $0xFFFFC000  }
0x24: {  	_ =	swait.ge [sflag:s21], $0x4000  }
0x25: {  	[sflag:s21] =	ssyncset.done $0x0  }
0x26: {  	[sflag:s21] =	ssyncadd.s32 $0xFFFFC000  }
0x27: {  	_ =	swait.ge [sflag:s21], $0x4000  }
0x28: {  	[sflag:s21] =	ssyncset.done $0x0  }
0x29: {  	s24 =	simm.s32 $0x0;
	[sflag:s21] =	ssyncadd.s32 $0xFFFFC000  }
0x2a: {  	v3 =	vld [tilespmem:s24+$0xC270]  }
0x2b: {  	v4 =	vld [tilespmem:s24+$0x200]  }
0x2c: {  	v5 =	vld [tilespmem:s24+$0x210]  }
0x2d: {  	v2 =	vld [tilespmem:s24+$0x4220]  }
0x2e: {  	v0 =	vld [tilespmem:s24+$0x4230]  }
0x2f: {  	v1 =	vld [tilespmem:s24+$0x8240];
	[tilespmem:s24+$0x10270] =	vst v3  }
0x30: {  	[tilespmem:s24+$0x10200] =	vst v4;
	v3 =	vld [tilespmem:s24+$0x8250]  }
0x31: {  	s25 =	simm.s32 $0x80;
	s26 =	simm.s32 $0x400;
	[tilespmem:s24+$0x10210] =	vst v5;
	v4 =	vld [tilespmem:s24+$0xC260]  }
.LBB2_2:
0x32: {  	p0 =	sne.s32 s26, $0xFE00;
	v5 =	vld [tilespmem:s25+$0xC270];
	[tilespmem:s24+$0x10220] =	vst v2  }
0x33: {  	v6 =	vld [tilespmem:s25+$0x200];
	[tilespmem:s24+$0x10230] =	vst v0  }
0x34: {  	v7 =	vld [tilespmem:s25+$0x210];
	[tilespmem:s24+$0x10240] =	vst v1  }
.Ltmp0:
0x35: {  	v2 =	vld [tilespmem:s25+$0x4220];
	[tilespmem:s24+$0x10250] =	vst v3;
	(pc) =	sbr.rel @p0 .LBB2_2-.Ltmp0, $4  }
0x36: {  	v0 =	vld [tilespmem:s25+$0x4230];
	[tilespmem:s24+$0x10260] =	vst v4;
	s24 =	smov.u32 s25  }
0x37: {  	v1 =	vld [tilespmem:s24+$0x8240];
	[tilespmem:s24+$0x10270] =	vst v5  }
0x38: {  	[tilespmem:s24+$0x10200] =	vst v6;
	v3 =	vld [tilespmem:s24+$0x8250]  }
0x39: {  	s25 =	sshra.s32 s26, $0x2;
	s26 =	sadd.s32 $0x200, s26;
	[tilespmem:s24+$0x10210] =	vst v7;
	v4 =	vld [tilespmem:s24+$0xC260]  }
0x3a: {  	v5 =	vld [tilespmem:s25+$0xC270];
	[tilespmem:s24+$0x10220] =	vst v2  }
0x3b: {  	v2 =	vld [tilespmem:s25+$0x200];
	[tilespmem:s24+$0x10230] =	vst v0  }
0x3c: {  	v0 =	vld [tilespmem:s25+$0x210];
	[tilespmem:s24+$0x10240] =	vst v1  }
0x3d: {  	v1 =	vld [tilespmem:s25+$0x4220];
	[tilespmem:s24+$0x10250] =	vst v3  }
0x3e: {  	v3 =	vld [tilespmem:s25+$0x4230];
	[tilespmem:s24+$0x10260] =	vst v4  }
0x3f: {  	v4 =	vld [tilespmem:s25+$0x8240];
	[tilespmem:s25+$0x10270] =	vst v5  }
0x40: {  	[tilespmem:s25+$0x10200] =	vst v2;
	v2 =	vld [tilespmem:s25+$0x8250]  }
0x41: {  	[tilespmem:s25+$0x10210] =	vst v0;
	v0 =	vld [tilespmem:s25+$0xC260]  }
0x42: {  	[tilespmem:s25+$0x10220] =	vst v1  }
0x43: {  	[tilespmem:s25+$0x10230] =	vst v3  }
0x44: {  	[tilespmem:s25+$0x10240] =	vst v4  }
0x45: {  	[tilespmem:s25+$0x10250] =	vst v2  }
0x46: {  	s31 =	simm.s32 $0x0;
	[tilespmem:s25+$0x10260] =	vst v0  }
0x47: {  	[hbm4b:s5+s31] =	stream.linear.scatter [tilespmem:s22], [sflag:$0x2], $0x4000, $0x38;
	[tilespmem:$0x14200] =	vst v63  }
0x48: {  	_ =	swait.ge [sflag:s13], $0x4000  }
0x49: {  	[sflag:s13] =	ssyncset.done $0x0  }
0x4a: {  	[sflag:s13] =	ssyncadd.s32 $0xFFFFC000  }
0x4b: {  	[tilespmem:s31], [sflag:$0x2] =	stream.linear.gather [hbm4b:s6+s31], $0x200, $0x38;
	[tilespmem:$0x14200] =	vst v63  }
0x4c: {  	_ =	swait.ge [sflag:s13], $0x200  }
0x4d: {  	[sflag:s13] =	ssyncset.done $0x0  }
0x4e: {  	[sflag:s13] =	ssyncadd.s32 $0xFFFFFE00  }
0x4f: {  	[tilespmem:s15], [sflag:$0x1] =	stream.indirect.gather [hbm4b:s3+s14], $0x80, s31, s14, $0xb8;
	[tilespmem:$0x14200] =	vst v63  }
0x50: {  	_ = 	snop  }
0x51: {  	[tilespmem:s16], [sflag:$0x1] =	stream.indirect.gather [hbm4b:s3+s14], $0x80, s14, s14, $0xb8;
	[tilespmem:$0x14200] =	vst v63  }
0x52: {  	_ = 	snop  }
0x53: {  	[tilespmem:s18], [sflag:$0x1] =	stream.indirect.gather [hbm4b:s3+s14], $0x80, s17, s14, $0xb8;
	[tilespmem:$0x14200] =	vst v63  }
0x54: {  	_ = 	snop  }
0x55: {  	[tilespmem:s20], [sflag:$0x1] =	stream.indirect.gather [hbm4b:s3+s14], $0x80, s19, s14, $0xb8;
	[tilespmem:$0x14200] =	vst v63  }
0x56: {  	_ =	swait.ge [sflag:s21], $0x4000  }
0x57: {  	[sflag:s21] =	ssyncset.done $0x0  }
0x58: {  	[sflag:s21] =	ssyncadd.s32 $0xFFFFC000  }
0x59: {  	_ =	swait.ge [sflag:s21], $0x4000  }
0x5a: {  	[sflag:s21] =	ssyncset.done $0x0  }
0x5b: {  	[sflag:s21] =	ssyncadd.s32 $0xFFFFC000  }
0x5c: {  	_ =	swait.ge [sflag:s21], $0x4000  }
0x5d: {  	[sflag:s21] =	ssyncset.done $0x0  }
0x5e: {  	[sflag:s21] =	ssyncadd.s32 $0xFFFFC000  }
0x5f: {  	_ =	swait.ge [sflag:s21], $0x4000  }
0x60: {  	[sflag:s21] =	ssyncset.done $0x0  }
0x61: {  	s24 =	simm.s32 $0x0;
	[sflag:s21] =	ssyncadd.s32 $0xFFFFC000  }
0x62: {  	v3 =	vld [tilespmem:s24+$0xC270]  }
0x63: {  	v4 =	vld [tilespmem:s24+$0x200]  }
0x64: {  	v5 =	vld [tilespmem:s24+$0x210]  }
0x65: {  	v2 =	vld [tilespmem:s24+$0x4220]  }
0x66: {  	v0 =	vld [tilespmem:s24+$0x4230]  }
0x67: {  	v1 =	vld [tilespmem:s24+$0x8240];
	[tilespmem:s24+$0x10270] =	vst v3  }
0x68: {  	[tilespmem:s24+$0x10200] =	vst v4;
	v3 =	vld [tilespmem:s24+$0x8250]  }
0x69: {  	s26 =	simm.s32 $0x400;
	s25 =	simm.s32 $0x80;
	[tilespmem:s24+$0x10210] =	vst v5;
	v4 =	vld [tilespmem:s24+$0xC260]  }
.LBB2_4:
0x6a: {  	p0 =	sne.s32 s26, $0xFE00;
	v5 =	vld [tilespmem:s25+$0xC270];
	[tilespmem:s24+$0x10220] =	vst v2  }
0x6b: {  	v6 =	vld [tilespmem:s25+$0x200];
	[tilespmem:s24+$0x10230] =	vst v0  }
0x6c: {  	v7 =	vld [tilespmem:s25+$0x210];
	[tilespmem:s24+$0x10240] =	vst v1  }
.Ltmp1:
0x6d: {  	v2 =	vld [tilespmem:s25+$0x4220];
	[tilespmem:s24+$0x10250] =	vst v3;
	(pc) =	sbr.rel @p0 .LBB2_4-.Ltmp1, $4  }
0x6e: {  	v0 =	vld [tilespmem:s25+$0x4230];
	[tilespmem:s24+$0x10260] =	vst v4;
	s24 =	smov.u32 s25  }
0x6f: {  	v1 =	vld [tilespmem:s24+$0x8240];
	[tilespmem:s24+$0x10270] =	vst v5  }
0x70: {  	[tilespmem:s24+$0x10200] =	vst v6;
	v3 =	vld [tilespmem:s24+$0x8250]  }
0x71: {  	s25 =	sshra.s32 s26, $0x2;
	s26 =	sadd.s32 $0x200, s26;
	[tilespmem:s24+$0x10210] =	vst v7;
	v4 =	vld [tilespmem:s24+$0xC260]  }
0x72: {  	v5 =	vld [tilespmem:s25+$0xC270];
	[tilespmem:s24+$0x10220] =	vst v2  }
0x73: {  	v2 =	vld [tilespmem:s25+$0x200];
	[tilespmem:s24+$0x10230] =	vst v0  }
0x74: {  	v0 =	vld [tilespmem:s25+$0x210];
	[tilespmem:s24+$0x10240] =	vst v1  }
0x75: {  	v1 =	vld [tilespmem:s25+$0x4220];
	[tilespmem:s24+$0x10250] =	vst v3  }
0x76: {  	v3 =	vld [tilespmem:s25+$0x4230];
	[tilespmem:s24+$0x10260] =	vst v4  }
0x77: {  	v4 =	vld [tilespmem:s25+$0x8240];
	[tilespmem:s25+$0x10270] =	vst v5  }
0x78: {  	[tilespmem:s25+$0x10200] =	vst v2;
	v2 =	vld [tilespmem:s25+$0x8250]  }
0x79: {  	[tilespmem:s25+$0x10210] =	vst v0;
	v0 =	vld [tilespmem:s25+$0xC260]  }
0x7a: {  	[tilespmem:s25+$0x10220] =	vst v1  }
0x7b: {  	[tilespmem:s25+$0x10230] =	vst v3  }
0x7c: {  	[tilespmem:s25+$0x10240] =	vst v4  }
0x7d: {  	[tilespmem:s25+$0x10250] =	vst v2  }
0x7e: {  	s31 =	simm.s32 $0x0;
	[tilespmem:s25+$0x10260] =	vst v0  }
0x7f: {  	[hbm4b:s7+s31] =	stream.linear.scatter [tilespmem:s22], [sflag:$0x2], $0x4000, $0x38;
	[tilespmem:$0x14200] =	vst v63  }
0x80: {  	_ =	swait.ge [sflag:s13], $0x4000  }
0x81: {  	[sflag:s13] =	ssyncset.done $0x0  }
0x82: {  	[sflag:s13] =	ssyncadd.s32 $0xFFFFC000  }
0x83: {  	[tilespmem:s31], [sflag:$0x2] =	stream.linear.gather [hbm4b:s8+s31], $0x200, $0x38;
	[tilespmem:$0x14200] =	vst v63  }
0x84: {  	_ =	swait.ge [sflag:s13], $0x200  }
0x85: {  	[sflag:s13] =	ssyncset.done $0x0  }
0x86: {  	[sflag:s13] =	ssyncadd.s32 $0xFFFFFE00  }
0x87: {  	[tilespmem:s15], [sflag:$0x1] =	stream.indirect.gather [hbm4b:s3+s14], $0x80, s31, s14, $0xb8;
	[tilespmem:$0x14200] =	vst v63  }
0x88: {  	_ = 	snop  }
0x89: {  	[tilespmem:s16], [sflag:$0x1] =	stream.indirect.gather [hbm4b:s3+s14], $0x80, s14, s14, $0xb8;
	[tilespmem:$0x14200] =	vst v63  }
0x8a: {  	_ = 	snop  }
0x8b: {  	[tilespmem:s18], [sflag:$0x1] =	stream.indirect.gather [hbm4b:s3+s14], $0x80, s17, s14, $0xb8;
	[tilespmem:$0x14200] =	vst v63  }
0x8c: {  	_ = 	snop  }
0x8d: {  	[tilespmem:s20], [sflag:$0x1] =	stream.indirect.gather [hbm4b:s3+s14], $0x80, s19, s14, $0xb8;
	[tilespmem:$0x14200] =	vst v63  }
0x8e: {  	_ =	swait.ge [sflag:s21], $0x4000  }
0x8f: {  	[sflag:s21] =	ssyncset.done $0x0  }
0x90: {  	[sflag:s21] =	ssyncadd.s32 $0xFFFFC000  }
0x91: {  	_ =	swait.ge [sflag:s21], $0x4000  }
0x92: {  	[sflag:s21] =	ssyncset.done $0x0  }
0x93: {  	[sflag:s21] =	ssyncadd.s32 $0xFFFFC000  }
0x94: {  	_ =	swait.ge [sflag:s21], $0x4000  }
0x95: {  	[sflag:s21] =	ssyncset.done $0x0  }
0x96: {  	[sflag:s21] =	ssyncadd.s32 $0xFFFFC000  }
0x97: {  	_ =	swait.ge [sflag:s21], $0x4000  }
0x98: {  	[sflag:s21] =	ssyncset.done $0x0  }
0x99: {  	s24 =	simm.s32 $0x0;
	[sflag:s21] =	ssyncadd.s32 $0xFFFFC000  }
0x9a: {  	v3 =	vld [tilespmem:s24+$0xC270]  }
0x9b: {  	v4 =	vld [tilespmem:s24+$0x200]  }
0x9c: {  	v5 =	vld [tilespmem:s24+$0x210]  }
0x9d: {  	v2 =	vld [tilespmem:s24+$0x4220]  }
0x9e: {  	v0 =	vld [tilespmem:s24+$0x4230]  }
0x9f: {  	v1 =	vld [tilespmem:s24+$0x8240];
	[tilespmem:s24+$0x10270] =	vst v3  }
0xa0: {  	[tilespmem:s24+$0x10200] =	vst v4;
	v3 =	vld [tilespmem:s24+$0x8250]  }
0xa1: {  	s26 =	simm.s32 $0x400;
	s25 =	simm.s32 $0x80;
	[tilespmem:s24+$0x10210] =	vst v5;
	v4 =	vld [tilespmem:s24+$0xC260]  }
.LBB2_6:
0xa2: {  	p0 =	sne.s32 s26, $0xFE00;
	v5 =	vld [tilespmem:s25+$0xC270];
	[tilespmem:s24+$0x10220] =	vst v2  }
0xa3: {  	v6 =	vld [tilespmem:s25+$0x200];
	[tilespmem:s24+$0x10230] =	vst v0  }
0xa4: {  	v7 =	vld [tilespmem:s25+$0x210];
	[tilespmem:s24+$0x10240] =	vst v1  }
.Ltmp2:
0xa5: {  	v2 =	vld [tilespmem:s25+$0x4220];
	[tilespmem:s24+$0x10250] =	vst v3;
	(pc) =	sbr.rel @p0 .LBB2_6-.Ltmp2, $4  }
0xa6: {  	v0 =	vld [tilespmem:s25+$0x4230];
	[tilespmem:s24+$0x10260] =	vst v4;
	s24 =	smov.u32 s25  }
0xa7: {  	v1 =	vld [tilespmem:s24+$0x8240];
	[tilespmem:s24+$0x10270] =	vst v5  }
0xa8: {  	[tilespmem:s24+$0x10200] =	vst v6;
	v3 =	vld [tilespmem:s24+$0x8250]  }
0xa9: {  	s25 =	sshra.s32 s26, $0x2;
	s26 =	sadd.s32 $0x200, s26;
	[tilespmem:s24+$0x10210] =	vst v7;
	v4 =	vld [tilespmem:s24+$0xC260]  }
0xaa: {  	v5 =	vld [tilespmem:s25+$0xC270];
	[tilespmem:s24+$0x10220] =	vst v2  }
0xab: {  	v2 =	vld [tilespmem:s25+$0x200];
	[tilespmem:s24+$0x10230] =	vst v0  }
0xac: {  	v0 =	vld [tilespmem:s25+$0x210];
	[tilespmem:s24+$0x10240] =	vst v1  }
0xad: {  	v1 =	vld [tilespmem:s25+$0x4220];
	[tilespmem:s24+$0x10250] =	vst v3  }
0xae: {  	v3 =	vld [tilespmem:s25+$0x4230];
	[tilespmem:s24+$0x10260] =	vst v4  }
0xaf: {  	v4 =	vld [tilespmem:s25+$0x8240];
	[tilespmem:s25+$0x10270] =	vst v5  }
0xb0: {  	[tilespmem:s25+$0x10200] =	vst v2;
	v2 =	vld [tilespmem:s25+$0x8250]  }
0xb1: {  	[tilespmem:s25+$0x10210] =	vst v0;
	v0 =	vld [tilespmem:s25+$0xC260]  }
0xb2: {  	[tilespmem:s25+$0x10220] =	vst v1  }
0xb3: {  	[tilespmem:s25+$0x10230] =	vst v3  }
0xb4: {  	[tilespmem:s25+$0x10240] =	vst v4  }
0xb5: {  	[tilespmem:s25+$0x10250] =	vst v2  }
0xb6: {  	s31 =	simm.s32 $0x0;
	[tilespmem:s25+$0x10260] =	vst v0  }
0xb7: {  	[hbm4b:s9+s31] =	stream.linear.scatter [tilespmem:s22], [sflag:$0x2], $0x4000, $0x38;
	[tilespmem:$0x14200] =	vst v63  }
0xb8: {  	_ =	swait.ge [sflag:s13], $0x4000  }
0xb9: {  	[sflag:s13] =	ssyncset.done $0x0  }
0xba: {  	[sflag:s13] =	ssyncadd.s32 $0xFFFFC000  }
0xbb: {  	[tilespmem:s31], [sflag:$0x2] =	stream.linear.gather [hbm4b:s10+s31], $0x200, $0x38;
	[tilespmem:$0x14200] =	vst v63  }
0xbc: {  	_ =	swait.ge [sflag:s13], $0x200  }
0xbd: {  	[sflag:s13] =	ssyncset.done $0x0  }
0xbe: {  	[sflag:s13] =	ssyncadd.s32 $0xFFFFFE00  }
0xbf: {  	[tilespmem:s15], [sflag:$0x1] =	stream.indirect.gather [hbm4b:s3+s14], $0x80, s31, s14, $0xb8;
	[tilespmem:$0x14200] =	vst v63  }
0xc0: {  	_ = 	snop  }
0xc1: {  	[tilespmem:s16], [sflag:$0x1] =	stream.indirect.gather [hbm4b:s3+s14], $0x80, s14, s14, $0xb8;
	[tilespmem:$0x14200] =	vst v63  }
0xc2: {  	_ = 	snop  }
0xc3: {  	[tilespmem:s18], [sflag:$0x1] =	stream.indirect.gather [hbm4b:s3+s14], $0x80, s17, s14, $0xb8;
	[tilespmem:$0x14200] =	vst v63  }
0xc4: {  	_ = 	snop  }
0xc5: {  	[tilespmem:s20], [sflag:$0x1] =	stream.indirect.gather [hbm4b:s3+s14], $0x80, s19, s14, $0xb8;
	[tilespmem:$0x14200] =	vst v63  }
0xc6: {  	_ =	swait.ge [sflag:s21], $0x4000  }
0xc7: {  	[sflag:s21] =	ssyncset.done $0x0  }
0xc8: {  	[sflag:s21] =	ssyncadd.s32 $0xFFFFC000  }
0xc9: {  	_ =	swait.ge [sflag:s21], $0x4000  }
0xca: {  	[sflag:s21] =	ssyncset.done $0x0  }
0xcb: {  	[sflag:s21] =	ssyncadd.s32 $0xFFFFC000  }
0xcc: {  	_ =	swait.ge [sflag:s21], $0x4000  }
0xcd: {  	[sflag:s21] =	ssyncset.done $0x0  }
0xce: {  	[sflag:s21] =	ssyncadd.s32 $0xFFFFC000  }
0xcf: {  	_ =	swait.ge [sflag:s21], $0x4000  }
0xd0: {  	[sflag:s21] =	ssyncset.done $0x0  }
0xd1: {  	s24 =	simm.s32 $0x0;
	[sflag:s21] =	ssyncadd.s32 $0xFFFFC000  }
0xd2: {  	v3 =	vld [tilespmem:s24+$0xC270]  }
0xd3: {  	v4 =	vld [tilespmem:s24+$0x200]  }
0xd4: {  	v5 =	vld [tilespmem:s24+$0x210]  }
0xd5: {  	v2 =	vld [tilespmem:s24+$0x4220]  }
0xd6: {  	v0 =	vld [tilespmem:s24+$0x4230]  }
0xd7: {  	v1 =	vld [tilespmem:s24+$0x8240];
	[tilespmem:s24+$0x10270] =	vst v3  }
0xd8: {  	[tilespmem:s24+$0x10200] =	vst v4;
	v3 =	vld [tilespmem:s24+$0x8250]  }
0xd9: {  	s26 =	simm.s32 $0x400;
	s25 =	simm.s32 $0x80;
	[tilespmem:s24+$0x10210] =	vst v5;
	v4 =	vld [tilespmem:s24+$0xC260]  }
.LBB2_8:
0xda: {  	p0 =	sne.s32 s26, $0xFE00;
	v5 =	vld [tilespmem:s25+$0xC270];
	[tilespmem:s24+$0x10220] =	vst v2  }
0xdb: {  	v6 =	vld [tilespmem:s25+$0x200];
	[tilespmem:s24+$0x10230] =	vst v0  }
0xdc: {  	v7 =	vld [tilespmem:s25+$0x210];
	[tilespmem:s24+$0x10240] =	vst v1  }
.Ltmp3:
0xdd: {  	v2 =	vld [tilespmem:s25+$0x4220];
	[tilespmem:s24+$0x10250] =	vst v3;
	(pc) =	sbr.rel @p0 .LBB2_8-.Ltmp3, $4  }
0xde: {  	v0 =	vld [tilespmem:s25+$0x4230];
	[tilespmem:s24+$0x10260] =	vst v4;
	s24 =	smov.u32 s25  }
0xdf: {  	v1 =	vld [tilespmem:s24+$0x8240];
	[tilespmem:s24+$0x10270] =	vst v5  }
0xe0: {  	[tilespmem:s24+$0x10200] =	vst v6;
	v3 =	vld [tilespmem:s24+$0x8250]  }
0xe1: {  	s25 =	sshra.s32 s26, $0x2;
	s26 =	sadd.s32 $0x200, s26;
	[tilespmem:s24+$0x10210] =	vst v7;
	v4 =	vld [tilespmem:s24+$0xC260]  }
0xe2: {  	v5 =	vld [tilespmem:s25+$0xC270];
	[tilespmem:s24+$0x10220] =	vst v2  }
0xe3: {  	v2 =	vld [tilespmem:s25+$0x200];
	[tilespmem:s24+$0x10230] =	vst v0  }
0xe4: {  	v0 =	vld [tilespmem:s25+$0x210];
	[tilespmem:s24+$0x10240] =	vst v1  }
0xe5: {  	v1 =	vld [tilespmem:s25+$0x4220];
	[tilespmem:s24+$0x10250] =	vst v3  }
0xe6: {  	v3 =	vld [tilespmem:s25+$0x4230];
	[tilespmem:s24+$0x10260] =	vst v4  }
0xe7: {  	v4 =	vld [tilespmem:s25+$0x8240];
	[tilespmem:s25+$0x10270] =	vst v5  }
0xe8: {  	v62 =	vld [tilespmem:s25+$0x8250];
	[tilespmem:s25+$0x10200] =	vst v2  }
0xe9: {  	v63 =	vld [tilespmem:s25+$0xC260];
	[tilespmem:s25+$0x10210] =	vst v0  }
0xea: {  	[tilespmem:s25+$0x10220] =	vst v1  }
0xeb: {  	[tilespmem:s25+$0x10230] =	vst v3  }
0xec: {  	s23 =	sadd.s32 $0x1, s23;
	[tilespmem:s25+$0x10240] =	vst v4  }
0xed: {  	p0 =	sne.s32 s23, s12;
	[tilespmem:s25+$0x10250] =	vst v62  }
.Ltmp4:
0xee: {  	[tilespmem:s25+$0x10260] =	vst v63;
	(pc) =	sbr.rel @p0 .LBB2_1-.Ltmp4, $4  }
0xef: {  	[hbm4b:s11+s2] =	stream.linear.scatter [tilespmem:s22], [sflag:$0x2], $0x4000, $0x38;
	[tilespmem:$0x14200] =	vst v63  }
0xf0: {  	_ =	swait.ge [sflag:s13], $0x4000  }
0xf1: {  	[sflag:s13] =	ssyncset.done $0x0  }
0xf2: {  	[sflag:s13] =	ssyncadd.s32 $0xFFFFC000  }
0xf3: {  	_ =	sfence.sel $0x180000  }
0xf4: {  	[bflag:$0x0] =	sbarrier.arrive $0xFFFF  }
0xf5: {  	p0 =	sne.s32 s1, $0x0;
	_ =	strace $0x90000047  }
0xf6: {  	s0 =	sadd.s32 @!p0 $0x100000, s0;
	[bflag:$0x2] =	sbarrier.arrive $0xFFFF  }
0xf7: {  	[sflag:s0] =	ssyncadd.tile.s32 @!p0 $0x1;
	_ =	shalt  }
.Lfunc_end2:
_tile_overlayer_lowered:
.L_overlay_start_2:
0xf8: {  	(tag) =	ssettag $0x2  }
0xf9: {  	s0 =	rddreg [dreg:$0x0];
	s2 =	stileid.u32  }
0xfa: {  	s1 =	rddreg [dreg:$0x1];
	p0 =	sne.s32 s2, $0x0  }
0xfb: {  	s3 =	rddreg [dreg:$0x2];
	[bflag:$0x3] =	sbarrier.arrive $0xFFFF;
	s2 =	simm.s32 @!p0 $0x1C02  }
0xfc: {  	[timem:s3], [sflag:s2] =	dma.local @!p0 [hbm:s0], s1  }
0xfd: {  	s0 =	simm.s32 @!p0 $0x2  }
0xfe: {  	_ =	swait.ge @!p0 [sflag:s0], s1  }
0xff: {  	s1 =	ssub.s32 @!p0 $0x0, s1;
	[sflag:s0] =	ssyncset.done @!p0 $0x0  }
0x100: {  	[sflag:s0] =	ssyncadd.s32 @!p0 s1  }
0x101: {  	[bflag:$0x3] =	sbarrier.arrive $0xFFFF  }
0x102: {  	_ =	shalt  }

</sc_bundles>
